<compile_context>
chip_gen: v7x
topology: tpu7x:2x2x1
jax: 0.10.2.dev20260603
libtpu: 0.0.44.dev20260713+nightly
codegen_flags: <defaults>
</compile_context>

<pallas_src>
import functools

import jax
import jax.numpy as jnp
from jax import lax
from jax.experimental import pallas as pl
from jax.experimental.pallas import tpu as pltpu
from jax.experimental.pallas import tpu_sc as plsc

N = 10000
E = 320000
D = 128
H = 128
G = 64

NC = 2
NS = 16
NW = NC * NS
EPW = E // NW
CHUNK = 125
NCHUNK = EPW // CHUNK
SEC = 40
NSEC = NCHUNK // SEC
NBUF = 2
NG = SEC // NBUF
RPT = 632
RPT_LAST = N - (NS - 1) * RPT

@functools.cache
def _make_sc_agg():
    mesh = plsc.VectorSubcoreMesh(core_axis_name="c", subcore_axis_name="s",
                                  num_cores=NC, num_subcores=NS)
    return functools.partial(
        pl.kernel,
        out_type=jax.ShapeDtypeStruct((2, N, H), jnp.float32),
        mesh=mesh,
        scratch_types=[
            pltpu.VMEM((SEC, CHUNK), jnp.int32),
            pltpu.VMEM((SEC, CHUNK), jnp.int32),
        ] + [pltpu.VMEM((CHUNK, H), jnp.float32) for _ in range(NBUF)]
          + [pltpu.VMEM_SHARED((N, H), jnp.float32)]
          + [pltpu.SemaphoreType.DMA for _ in range(NBUF + 1)],
    )(_sc_agg_body)


def _sc_agg_body(h_hbm, src_hbm, dst_hbm, out_hbm, src_idx, dst_idx,
                 b0, b1, accum, s0, s1, isem):
    c = lax.axis_index("c")
    s = lax.axis_index("s")
    wid = s * NC + c
    bufs = (b0, b1)
    sems = (s0, s1)

    row0 = pl.multiple_of(s * RPT, 8)

    @pl.when(s < NS - 1)
    def _():
        pltpu.async_copy(h_hbm.at[pl.ds(row0, RPT)],
                         accum.at[pl.ds(row0, RPT)], isem)

    @pl.when(s == NS - 1)
    def _():
        pltpu.async_copy(h_hbm.at[pl.ds(row0, RPT_LAST)],
                         accum.at[pl.ds(row0, RPT_LAST)], isem)

    def sec_body(sec, carry):
        sec0 = pl.multiple_of(sec * SEC, 8)
        pltpu.sync_copy(src_hbm.at[wid, pl.ds(sec0, SEC)], src_idx)
        pltpu.sync_copy(dst_hbm.at[wid, pl.ds(sec0, SEC)], dst_idx)
        for b in range(NBUF):
            pltpu.async_copy(h_hbm.at[src_idx.at[b]], bufs[b], sems[b])

        @pl.when(sec == 0)
        def _():
            @pl.when(s < NS - 1)
            def _():
                pltpu.make_async_copy(h_hbm.at[pl.ds(row0, RPT)],
                                      accum.at[pl.ds(row0, RPT)], isem).wait()

            @pl.when(s == NS - 1)
            def _():
                pltpu.make_async_copy(h_hbm.at[pl.ds(row0, RPT_LAST)],
                                      accum.at[pl.ds(row0, RPT_LAST)],
                                      isem).wait()

            plsc.subcore_barrier()

        def body(g, c2):
            for b in range(NBUF):
                i = g * NBUF + b
                pltpu.make_async_copy(h_hbm.at[src_idx.at[i]], bufs[b],
                                      sems[b]).wait()
                pltpu.sync_copy(bufs[b], accum.at[dst_idx.at[i]], add=True)
                pltpu.async_copy(h_hbm.at[src_idx.at[i + NBUF]], bufs[b],
                                 sems[b])
            return c2

        lax.fori_loop(0, NG - 1, body, 0)
        for b in range(NBUF):
            i = (NG - 1) * NBUF + b
            pltpu.make_async_copy(h_hbm.at[src_idx.at[i]], bufs[b],
                                  sems[b]).wait()
            pltpu.sync_copy(bufs[b], accum.at[dst_idx.at[i]], add=True)
        return carry

    lax.fori_loop(0, NSEC, sec_body, 0)
    plsc.subcore_barrier()

    @pl.when(s < NS - 1)
    def _():
        pltpu.sync_copy(accum.at[pl.ds(row0, RPT)],
                        out_hbm.at[c, pl.ds(row0, RPT)])

    @pl.when(s == NS - 1)
    def _():
        pltpu.sync_copy(accum.at[pl.ds(row0, RPT_LAST)],
                        out_hbm.at[c, pl.ds(row0, RPT_LAST)])


def _tc_body(parts_ref, h_ref, W1_ref, b1_ref, W2_ref, b2_ref, g_ref, be_ref,
             P_ref, y_ref, pool_ref):
    m = parts_ref[0] + parts_ref[1] - h_ref[...]
    t = jnp.dot(m, W1_ref[...], preferred_element_type=jnp.float32) + b1_ref[...]
    t = jnp.maximum(t, 0.0)
    t = jnp.dot(t, W2_ref[...], preferred_element_type=jnp.float32) + b2_ref[...]
    t = jnp.maximum(t, 0.0)
    mu = jnp.sum(t, axis=0, keepdims=True) * (1.0 / N)
    d = t - mu
    var = jnp.sum(d * d, axis=0, keepdims=True) * (1.0 / N)
    y = d * lax.rsqrt(var + 1e-5) * g_ref[...] + be_ref[...]
    y_ref[...] = y
    pool_ref[...] = lax.dot_general(
        P_ref[...], y, (((0,), (0,)), ((), ())),
        preferred_element_type=jnp.float32,
        precision=lax.Precision.HIGHEST)


_tc_dense = pl.pallas_call(
    _tc_body,
    out_shape=[
        jax.ShapeDtypeStruct((N, H), jnp.float32),
        jax.ShapeDtypeStruct((G, H), jnp.float32),
    ],
)


def kernel(x, edge_index, batch,
           W1_0, b1_0, W2_0, b2_0, g_0, be_0,
           W1_1, b1_1, W2_1, b2_1, g_1, be_1,
           W1_2, b1_2, W2_2, b2_2, g_2, be_2):
    src = edge_index[0].reshape(NW, NCHUNK, CHUNK)
    dst = edge_index[1].reshape(NW, NCHUNK, CHUNK)
    P = (batch[:, None] == jnp.arange(G, dtype=batch.dtype)[None, :]).astype(
        jnp.float32)
    plist = [(W1_0, b1_0, W2_0, b2_0, g_0, be_0),
             (W1_1, b1_1, W2_1, b2_1, g_1, be_1),
             (W1_2, b1_2, W2_2, b2_2, g_2, be_2)]
    h = x
    pools = []
    for (W1, b1, W2, b2, g, be) in plist:
        parts = _make_sc_agg()(h, src, dst)
        h, pool = _tc_dense(parts, h, W1,
                            b1.reshape(1, H), W2, b2.reshape(1, H),
                            g.reshape(1, H), be.reshape(1, H), P)
        pools.append(pool)
    return jnp.concatenate(pools, axis=1)

# --- scband reference (transcript-rebuilt; emitter-appended) ---
"""Pipeline reference for scband-encoder-70446053589463 (READ-ONLY COPY).

The authoritative reference and input builder live on the scoring server;
editing this copy changes nothing except your own understanding.
"""

import jax, jax.numpy as jnp
import numpy as np

N = 10000
E = 320000
D = 128
H = 128
G = 64

def _init_params(key):
    params = {}
    dims = [D, H, H]
    for i in range(3):
        k1, k2, key = jax.random.split(key, 3)
        ind = dims[i]
        params["W1_%d" % i] = jax.random.normal(k1, (ind, H), dtype=jnp.float32) * (1.0 / np.sqrt(ind))
        params["b1_%d" % i] = jnp.zeros((H,), dtype=jnp.float32)
        params["W2_%d" % i] = jax.random.normal(k2, (H, H), dtype=jnp.float32) * (1.0 / np.sqrt(H))
        params["b2_%d" % i] = jnp.zeros((H,), dtype=jnp.float32)
        params["g_%d" % i] = jnp.ones((H,), dtype=jnp.float32)
        params["be_%d" % i] = jnp.zeros((H,), dtype=jnp.float32)
    return params

def setup_inputs(seed: int = 0):
    key = jax.random.key(seed)
    k0, k1, k2, kp = jax.random.split(key, 4)
    inp = {}
    inp["x"] = jax.random.normal(k0, (N, D), dtype=jnp.float32)
    inp["edge_index"] = jax.random.randint(k1, (2, E), 0, N, dtype=jnp.int32)
    inp["batch"] = jnp.sort(jax.random.randint(k2, (N,), 0, G, dtype=jnp.int32))
    inp.update(_init_params(kp))
    return inp

def _forward(x, edge_index, batch, plist):
    # Encoder(gnn='gin'): 3x [GINConv(MLP) -> ReLU -> BatchNorm1d], then sum-pool each
    # layer's output per graph and concatenate -> graph-level rep z_g.
    src = edge_index[0]
    dst = edge_index[1]
    h = x
    xs = []
    for (W1, b1, W2, b2, g, be) in plist:
        # GINConv with eps=0: mlp(x_i + sum_{j in N(i)} x_j)
        agg = jax.ops.segment_sum(h[src], dst, num_segments=h.shape[0])
        m = h + agg
        m = jnp.dot(m, W1) + b1
        m = jax.nn.relu(m)
        m = jnp.dot(m, W2) + b2
        # outer activation
        m = jax.nn.relu(m)
        # BatchNorm1d in training mode: biased batch stats, eps=1e-5
        mean = jnp.mean(m, axis=0)
        var = jnp.var(m, axis=0)
        m = (m - mean) / jnp.sqrt(var + 1e-5) * g + be
        xs.append(m)
        h = m
    # global_add_pool per layer output, then concat
    pools = [jax.ops.segment_sum(t, batch, num_segments=G) for t in xs]
    return jnp.concatenate(pools, axis=1)

def reference(x, edge_index, batch, W1_0, b1_0, W2_0, b2_0, g_0, be_0, W1_1, b1_1, W2_1, b2_1, g_1, be_1, W1_2, b1_2, W2_2, b2_2, g_2, be_2):
    plist = [(W1_0, b1_0, W2_0, b2_0, g_0, be_0),
             (W1_1, b1_1, W2_1, b2_1, g_1, be_1),
             (W1_2, b1_2, W2_2, b2_2, g_2, be_2)]
    return _forward(x, edge_index, batch, plist)

if __name__ == "__main__":
    import jax
    _d = setup_inputs()
    print(jax.jit(kernel)(*tuple(_d.values())))

</pallas_src>

<mosaic_0001>
#map = affine_map<(d0, d1) -> (0, 0)>
#map1 = affine_map<(d0, d1) -> (0, 0, 0)>
module attributes {stable_mosaic.version = 14 : i64} {
  func.func @_sc_agg_body(%arg0: i32, %arg1: i32, %arg2: memref<10000x128xf32, #tpu.memory_space<hbm>>, %arg3: memref<32x80x125xi32, #tpu.memory_space<hbm>>, %arg4: memref<32x80x125xi32, #tpu.memory_space<hbm>>, %arg5: memref<2x10000x128xf32, #tpu.memory_space<hbm>>, %arg6: memref<40x125xi32, #tpu.memory_space<vmem>>, %arg7: memref<40x125xi32, #tpu.memory_space<vmem>>, %arg8: memref<125x128xf32, #tpu.memory_space<vmem>>, %arg9: memref<125x128xf32, #tpu.memory_space<vmem>>, %arg10: memref<10000x128xf32, #tpu.memory_space<vmem_shared>>, %arg11: memref<!tpu.dma_semaphore, #tpu.memory_space<semaphore_mem>>, %arg12: memref<!tpu.dma_semaphore, #tpu.memory_space<semaphore_mem>>, %arg13: memref<!tpu.dma_semaphore, #tpu.memory_space<semaphore_mem>>) attributes {dimension_semantics = [#tpu.dimension_semantics<core_parallel>, #tpu.dimension_semantics<subcore_parallel>], iteration_bounds = array<i64: 2, 16>, scalar_prefetch = 0 : i64, scratch_operands = 8 : i64, tpu.core_type = #tpu.core_type<sc_vector_subcore>, window_params = [{transform_indices = #map}, {transform_indices = #map1}, {transform_indices = #map1}, {transform_indices = #map1}]} {
    %mul3A = arith.constant 2 : i32
    %mul3A_0 = arith.muli %arg1, %mul3A : i32
    %add3A = arith.addi %mul3A_0, %arg0 : i32
    %mul3A_1 = arith.constant 632 : i32
    %mul3A_2 = arith.muli %arg1, %mul3A_1 : i32
    %multiple_of3A = tpu.assume_multiple %mul3A_2, 8 : i32
    %lt3A = arith.constant 15 : i32
    %lt3A_3 = arith.cmpi slt, %arg1, %lt3A : i32
    %convert_element_type3A = arith.extui %lt3A_3 : i1 to i32
    %cond3A = arith.constant 0 : i32
    %cond3A_4 = arith.cmpi ne, %convert_element_type3A, %cond3A : i32
    scf.if %cond3A_4 {
      %dma_start3A = arith.constant 0 : i32
      %dma_start3A_24 = tpu.memref_slice %arg10[%multiple_of3A, %dma_start3A] : memref<10000x128xf32, #tpu.memory_space<vmem_shared>> -> memref<632x128xf32, #tpu.memory_space<vmem_shared>>
      %dma_start3A_25 = arith.constant 0 : i32
      %dma_start3A_26 = tpu.memref_slice %arg2[%multiple_of3A, %dma_start3A_25] : memref<10000x128xf32, #tpu.memory_space<hbm>> -> memref<632x128xf32, #tpu.memory_space<hbm>>
      tpu.enqueue_dma source(%dma_start3A_26 : memref<632x128xf32, #tpu.memory_space<hbm>>) target(%dma_start3A_24 : memref<632x128xf32, #tpu.memory_space<vmem_shared>>) target_semaphore(%arg13 : memref<!tpu.dma_semaphore, #tpu.memory_space<semaphore_mem>>)
    } else {
    }
    %eq3A = arith.constant 15 : i32
    %eq3A_5 = arith.cmpi eq, %arg1, %eq3A : i32
    %convert_element_type3A_6 = arith.extui %eq3A_5 : i1 to i32
    %cond3A_7 = arith.constant 0 : i32
    %cond3A_8 = arith.cmpi ne, %convert_element_type3A_6, %cond3A_7 : i32
    scf.if %cond3A_8 {
      %dma_start3A = arith.constant 0 : i32
      %dma_start3A_24 = tpu.memref_slice %arg10[%multiple_of3A, %dma_start3A] : memref<10000x128xf32, #tpu.memory_space<vmem_shared>> -> memref<520x128xf32, #tpu.memory_space<vmem_shared>>
      %dma_start3A_25 = arith.constant 0 : i32
      %dma_start3A_26 = tpu.memref_slice %arg2[%multiple_of3A, %dma_start3A_25] : memref<10000x128xf32, #tpu.memory_space<hbm>> -> memref<520x128xf32, #tpu.memory_space<hbm>>
      tpu.enqueue_dma source(%dma_start3A_26 : memref<520x128xf32, #tpu.memory_space<hbm>>) target(%dma_start3A_24 : memref<520x128xf32, #tpu.memory_space<vmem_shared>>) target_semaphore(%arg13 : memref<!tpu.dma_semaphore, #tpu.memory_space<semaphore_mem>>)
    } else {
    }
    %scan3A = arith.constant 0 : i32
    %scan3A_9 = arith.constant 0 : i32
    %scan3A_10 = arith.constant 2 : i32
    %scan3A_11 = arith.addi %scan3A_9, %scan3A_10 : i32
    %scan3A_12 = arith.constant 1 : i32
    scf.for %scan3A_24 = %scan3A_9 to %scan3A_11 step %scan3A_12  : i32 {
      %mul3A_25 = arith.constant 40 : i32
      %mul3A_26 = arith.muli %scan3A_24, %mul3A_25 : i32
      %multiple_of3A_27 = tpu.assume_multiple %mul3A_26, 8 : i32
      "tpu.region"() ({
        %run_scoped3A_66 = tpu.sem_alloc : memref<!tpu.dma_semaphore, #tpu.memory_space<semaphore_mem>>
        %dma_start3A_67 = arith.constant 0 : i32
        %dma_start3A_68 = tpu.memref_slice %arg3[%add3A, %multiple_of3A_27, %dma_start3A_67] : memref<32x80x125xi32, #tpu.memory_space<hbm>> -> memref<1x40x125xi32, #tpu.memory_space<hbm>>
        %dma_start3A_69 = tpu.memref_squeeze %dma_start3A_68 : memref<1x40x125xi32, #tpu.memory_space<hbm>> -> memref<40x125xi32, #tpu.memory_space<hbm>>
        %dma_start3A_70 = arith.constant 0 : i32
        %dma_start3A_71 = tpu.memref_slice %arg3[%add3A, %multiple_of3A_27, %dma_start3A_70] : memref<32x80x125xi32, #tpu.memory_space<hbm>> -> memref<1x40x125xi32, #tpu.memory_space<hbm>>
        %dma_start3A_72 = tpu.memref_squeeze %dma_start3A_71 : memref<1x40x125xi32, #tpu.memory_space<hbm>> -> memref<40x125xi32, #tpu.memory_space<hbm>>
        tpu.enqueue_dma source(%dma_start3A_72 : memref<40x125xi32, #tpu.memory_space<hbm>>) target(%arg6 : memref<40x125xi32, #tpu.memory_space<vmem>>) target_semaphore(%run_scoped3A_66 : memref<!tpu.dma_semaphore, #tpu.memory_space<semaphore_mem>>)
        %dma_wait3A_73 = arith.constant 0 : i32
        %dma_wait3A_74 = tpu.memref_slice %arg3[%add3A, %multiple_of3A_27, %dma_wait3A_73] : memref<32x80x125xi32, #tpu.memory_space<hbm>> -> memref<1x40x125xi32, #tpu.memory_space<hbm>>
        %dma_wait3A_75 = tpu.memref_squeeze %dma_wait3A_74 : memref<1x40x125xi32, #tpu.memory_space<hbm>> -> memref<40x125xi32, #tpu.memory_space<hbm>>
        %dma_wait3A_76 = arith.constant 0 : i32
        %dma_wait3A_77 = tpu.memref_slice %arg3[%add3A, %multiple_of3A_27, %dma_wait3A_76] : memref<32x80x125xi32, #tpu.memory_space<hbm>> -> memref<1x40x125xi32, #tpu.memory_space<hbm>>
        %dma_wait3A_78 = tpu.memref_squeeze %dma_wait3A_77 : memref<1x40x125xi32, #tpu.memory_space<hbm>> -> memref<40x125xi32, #tpu.memory_space<hbm>>
        tpu.wait_dma2 semaphore(%run_scoped3A_66 : memref<!tpu.dma_semaphore, #tpu.memory_space<semaphore_mem>>) src(%dma_wait3A_78 : memref<40x125xi32, #tpu.memory_space<hbm>>) dst(%arg6 : memref<40x125xi32, #tpu.memory_space<vmem>>)
        tpu.yield
      }) : () -> ()
      "tpu.region"() ({
        %run_scoped3A_66 = tpu.sem_alloc : memref<!tpu.dma_semaphore, #tpu.memory_space<semaphore_mem>>
        %dma_start3A_67 = arith.constant 0 : i32
        %dma_start3A_68 = tpu.memref_slice %arg4[%add3A, %multiple_of3A_27, %dma_start3A_67] : memref<32x80x125xi32, #tpu.memory_space<hbm>> -> memref<1x40x125xi32, #tpu.memory_space<hbm>>
        %dma_start3A_69 = tpu.memref_squeeze %dma_start3A_68 : memref<1x40x125xi32, #tpu.memory_space<hbm>> -> memref<40x125xi32, #tpu.memory_space<hbm>>
        %dma_start3A_70 = arith.constant 0 : i32
        %dma_start3A_71 = tpu.memref_slice %arg4[%add3A, %multiple_of3A_27, %dma_start3A_70] : memref<32x80x125xi32, #tpu.memory_space<hbm>> -> memref<1x40x125xi32, #tpu.memory_space<hbm>>
        %dma_start3A_72 = tpu.memref_squeeze %dma_start3A_71 : memref<1x40x125xi32, #tpu.memory_space<hbm>> -> memref<40x125xi32, #tpu.memory_space<hbm>>
        tpu.enqueue_dma source(%dma_start3A_72 : memref<40x125xi32, #tpu.memory_space<hbm>>) target(%arg7 : memref<40x125xi32, #tpu.memory_space<vmem>>) target_semaphore(%run_scoped3A_66 : memref<!tpu.dma_semaphore, #tpu.memory_space<semaphore_mem>>)
        %dma_wait3A_73 = arith.constant 0 : i32
        %dma_wait3A_74 = tpu.memref_slice %arg4[%add3A, %multiple_of3A_27, %dma_wait3A_73] : memref<32x80x125xi32, #tpu.memory_space<hbm>> -> memref<1x40x125xi32, #tpu.memory_space<hbm>>
        %dma_wait3A_75 = tpu.memref_squeeze %dma_wait3A_74 : memref<1x40x125xi32, #tpu.memory_space<hbm>> -> memref<40x125xi32, #tpu.memory_space<hbm>>
        %dma_wait3A_76 = arith.constant 0 : i32
        %dma_wait3A_77 = tpu.memref_slice %arg4[%add3A, %multiple_of3A_27, %dma_wait3A_76] : memref<32x80x125xi32, #tpu.memory_space<hbm>> -> memref<1x40x125xi32, #tpu.memory_space<hbm>>
        %dma_wait3A_78 = tpu.memref_squeeze %dma_wait3A_77 : memref<1x40x125xi32, #tpu.memory_space<hbm>> -> memref<40x125xi32, #tpu.memory_space<hbm>>
        tpu.wait_dma2 semaphore(%run_scoped3A_66 : memref<!tpu.dma_semaphore, #tpu.memory_space<semaphore_mem>>) src(%dma_wait3A_78 : memref<40x125xi32, #tpu.memory_space<hbm>>) dst(%arg7 : memref<40x125xi32, #tpu.memory_space<vmem>>)
        tpu.yield
      }) : () -> ()
      %dma_start3A = arith.constant 0 : i32
      %dma_start3A_28 = arith.constant 0 : i32
      %dma_start3A_29 = tpu.memref_slice %arg6[%dma_start3A, %dma_start3A_28] : memref<40x125xi32, #tpu.memory_space<vmem>> -> memref<1x125xi32, #tpu.memory_space<vmem>>
      %dma_start3A_30 = tpu.memref_squeeze %dma_start3A_29 : memref<1x125xi32, #tpu.memory_space<vmem>> -> memref<125xi32, #tpu.memory_space<vmem>>
      %dma_start3A_31 = arith.constant 0 : i32
      %dma_start3A_32 = arith.constant 0 : i32
      %dma_start3A_33 = tpu.memref_slice %arg2[%dma_start3A_31, %dma_start3A_32] : memref<10000x128xf32, #tpu.memory_space<hbm>> -> memref<10000x128xf32, #tpu.memory_space<hbm>>
      tpu.enqueue_indirect_dma source(%dma_start3A_33 : memref<10000x128xf32, #tpu.memory_space<hbm>>) target(%arg8 : memref<125x128xf32, #tpu.memory_space<vmem>>) offsets(%dma_start3A_30 : memref<125xi32, #tpu.memory_space<vmem>>) semaphore(%arg11 : memref<!tpu.dma_semaphore, #tpu.memory_space<semaphore_mem>>)
      %dma_start3A_34 = arith.constant 1 : i32
      %dma_start3A_35 = arith.constant 0 : i32
      %dma_start3A_36 = tpu.memref_slice %arg6[%dma_start3A_34, %dma_start3A_35] : memref<40x125xi32, #tpu.memory_space<vmem>> -> memref<1x125xi32, #tpu.memory_space<vmem>>
      %dma_start3A_37 = tpu.memref_squeeze %dma_start3A_36 : memref<1x125xi32, #tpu.memory_space<vmem>> -> memref<125xi32, #tpu.memory_space<vmem>>
      %dma_start3A_38 = arith.constant 0 : i32
      %dma_start3A_39 = arith.constant 0 : i32
      %dma_start3A_40 = tpu.memref_slice %arg2[%dma_start3A_38, %dma_start3A_39] : memref<10000x128xf32, #tpu.memory_space<hbm>> -> memref<10000x128xf32, #tpu.memory_space<hbm>>
      tpu.enqueue_indirect_dma source(%dma_start3A_40 : memref<10000x128xf32, #tpu.memory_space<hbm>>) target(%arg9 : memref<125x128xf32, #tpu.memory_space<vmem>>) offsets(%dma_start3A_37 : memref<125xi32, #tpu.memory_space<vmem>>) semaphore(%arg12 : memref<!tpu.dma_semaphore, #tpu.memory_space<semaphore_mem>>)
      %eq3A_41 = arith.constant 0 : i32
      %eq3A_42 = arith.cmpi eq, %scan3A_24, %eq3A_41 : i32
      %convert_element_type3A_43 = arith.extui %eq3A_42 : i1 to i32
      %cond3A_44 = arith.constant 0 : i32
      %cond3A_45 = arith.cmpi ne, %convert_element_type3A_43, %cond3A_44 : i32
      scf.if %cond3A_45 {
        %lt3A_66 = arith.constant 15 : i32
        %lt3A_67 = arith.cmpi slt, %arg1, %lt3A_66 : i32
        %convert_element_type3A_68 = arith.extui %lt3A_67 : i1 to i32
        %cond3A_69 = arith.constant 0 : i32
        %cond3A_70 = arith.cmpi ne, %convert_element_type3A_68, %cond3A_69 : i32
        scf.if %cond3A_70 {
          %dma_wait3A_77 = arith.constant 0 : i32
          %dma_wait3A_78 = tpu.memref_slice %arg10[%multiple_of3A, %dma_wait3A_77] : memref<10000x128xf32, #tpu.memory_space<vmem_shared>> -> memref<632x128xf32, #tpu.memory_space<vmem_shared>>
          %dma_wait3A_79 = arith.constant 0 : i32
          %dma_wait3A_80 = tpu.memref_slice %arg2[%multiple_of3A, %dma_wait3A_79] : memref<10000x128xf32, #tpu.memory_space<hbm>> -> memref<632x128xf32, #tpu.memory_space<hbm>>
          tpu.wait_dma2 semaphore(%arg13 : memref<!tpu.dma_semaphore, #tpu.memory_space<semaphore_mem>>) src(%dma_wait3A_80 : memref<632x128xf32, #tpu.memory_space<hbm>>) dst(%dma_wait3A_78 : memref<632x128xf32, #tpu.memory_space<vmem_shared>>)
        } else {
        }
        %eq3A_71 = arith.constant 15 : i32
        %eq3A_72 = arith.cmpi eq, %arg1, %eq3A_71 : i32
        %convert_element_type3A_73 = arith.extui %eq3A_72 : i1 to i32
        %cond3A_74 = arith.constant 0 : i32
        %cond3A_75 = arith.cmpi ne, %convert_element_type3A_73, %cond3A_74 : i32
        scf.if %cond3A_75 {
          %dma_wait3A_77 = arith.constant 0 : i32
          %dma_wait3A_78 = tpu.memref_slice %arg10[%multiple_of3A, %dma_wait3A_77] : memref<10000x128xf32, #tpu.memory_space<vmem_shared>> -> memref<520x128xf32, #tpu.memory_space<vmem_shared>>
          %dma_wait3A_79 = arith.constant 0 : i32
          %dma_wait3A_80 = tpu.memref_slice %arg2[%multiple_of3A, %dma_wait3A_79] : memref<10000x128xf32, #tpu.memory_space<hbm>> -> memref<520x128xf32, #tpu.memory_space<hbm>>
          tpu.wait_dma2 semaphore(%arg13 : memref<!tpu.dma_semaphore, #tpu.memory_space<semaphore_mem>>) src(%dma_wait3A_80 : memref<520x128xf32, #tpu.memory_space<hbm>>) dst(%dma_wait3A_78 : memref<520x128xf32, #tpu.memory_space<vmem_shared>>)
        } else {
        }
        %barrier3A_76 = arith.constant 0 : index
        tpu.barrier barrier_id(%barrier3A_76)
      } else {
      }
      %scan3A_46 = arith.constant 0 : i32
      %scan3A_47 = arith.constant 0 : i32
      %scan3A_48 = arith.constant 19 : i32
      %scan3A_49 = arith.addi %scan3A_47, %scan3A_48 : i32
      %scan3A_50 = arith.constant 1 : i32
      scf.for %scan3A_66 = %scan3A_47 to %scan3A_49 step %scan3A_50  : i32 {
        %mul3A_67 = arith.constant 2 : i32
        %mul3A_68 = arith.muli %scan3A_66, %mul3A_67 : i32
        %add3A_69 = arith.constant 0 : i32
        %add3A_70 = arith.addi %mul3A_68, %add3A_69 : i32
        %dma_wait3A_71 = arith.constant 0 : i32
        %dma_wait3A_72 = tpu.memref_slice %arg6[%add3A_70, %dma_wait3A_71] : memref<40x125xi32, #tpu.memory_space<vmem>> -> memref<1x125xi32, #tpu.memory_space<vmem>>
        %dma_wait3A_73 = tpu.memref_squeeze %dma_wait3A_72 : memref<1x125xi32, #tpu.memory_space<vmem>> -> memref<125xi32, #tpu.memory_space<vmem>>
        %dma_wait3A_74 = arith.constant 0 : i32
        %dma_wait3A_75 = arith.constant 0 : i32
        %dma_wait3A_76 = tpu.memref_slice %arg2[%dma_wait3A_74, %dma_wait3A_75] : memref<10000x128xf32, #tpu.memory_space<hbm>> -> memref<10000x128xf32, #tpu.memory_space<hbm>>
        tpu.wait_indirect_dma semaphore(%arg11 : memref<!tpu.dma_semaphore, #tpu.memory_space<semaphore_mem>>) src(%dma_wait3A_76 : memref<10000x128xf32, #tpu.memory_space<hbm>>) dst(%arg8 : memref<125x128xf32, #tpu.memory_space<vmem>>)
        "tpu.region"() ({
          %run_scoped3A_103 = tpu.sem_alloc : memref<!tpu.dma_semaphore, #tpu.memory_space<semaphore_mem>>
          %dma_start3A_104 = arith.constant 0 : i32
          %dma_start3A_105 = tpu.memref_slice %arg7[%add3A_70, %dma_start3A_104] : memref<40x125xi32, #tpu.memory_space<vmem>> -> memref<1x125xi32, #tpu.memory_space<vmem>>
          %dma_start3A_106 = tpu.memref_squeeze %dma_start3A_105 : memref<1x125xi32, #tpu.memory_space<vmem>> -> memref<125xi32, #tpu.memory_space<vmem>>
          %dma_start3A_107 = arith.constant 0 : i32
          %dma_start3A_108 = arith.constant 0 : i32
          %dma_start3A_109 = tpu.memref_slice %arg10[%dma_start3A_107, %dma_start3A_108] : memref<10000x128xf32, #tpu.memory_space<vmem_shared>> -> memref<10000x128xf32, #tpu.memory_space<vmem_shared>>
          tpu.enqueue_indirect_dma source(%arg8 : memref<125x128xf32, #tpu.memory_space<vmem>>) target(%dma_start3A_109 : memref<10000x128xf32, #tpu.memory_space<vmem_shared>>) offsets(%dma_start3A_106 : memref<125xi32, #tpu.memory_space<vmem>>) semaphore(%run_scoped3A_103 : memref<!tpu.dma_semaphore, #tpu.memory_space<semaphore_mem>>) {add = true}
          %dma_wait3A_110 = arith.constant 0 : i32
          %dma_wait3A_111 = tpu.memref_slice %arg7[%add3A_70, %dma_wait3A_110] : memref<40x125xi32, #tpu.memory_space<vmem>> -> memref<1x125xi32, #tpu.memory_space<vmem>>
          %dma_wait3A_112 = tpu.memref_squeeze %dma_wait3A_111 : memref<1x125xi32, #tpu.memory_space<vmem>> -> memref<125xi32, #tpu.memory_space<vmem>>
          %dma_wait3A_113 = arith.constant 0 : i32
          %dma_wait3A_114 = arith.constant 0 : i32
          %dma_wait3A_115 = tpu.memref_slice %arg10[%dma_wait3A_113, %dma_wait3A_114] : memref<10000x128xf32, #tpu.memory_space<vmem_shared>> -> memref<10000x128xf32, #tpu.memory_space<vmem_shared>>
          tpu.wait_indirect_dma semaphore(%run_scoped3A_103 : memref<!tpu.dma_semaphore, #tpu.memory_space<semaphore_mem>>) src(%arg8 : memref<125x128xf32, #tpu.memory_space<vmem>>) dst(%dma_wait3A_115 : memref<10000x128xf32, #tpu.memory_space<vmem_shared>>)
          tpu.yield
        }) : () -> ()
        %add3A_77 = arith.constant 2 : i32
        %add3A_78 = arith.addi %add3A_70, %add3A_77 : i32
        %dma_start3A_79 = arith.constant 0 : i32
        %dma_start3A_80 = tpu.memref_slice %arg6[%add3A_78, %dma_start3A_79] : memref<40x125xi32, #tpu.memory_space<vmem>> -> memref<1x125xi32, #tpu.memory_space<vmem>>
        %dma_start3A_81 = tpu.memref_squeeze %dma_start3A_80 : memref<1x125xi32, #tpu.memory_space<vmem>> -> memref<125xi32, #tpu.memory_space<vmem>>
        %dma_start3A_82 = arith.constant 0 : i32
        %dma_start3A_83 = arith.constant 0 : i32
        %dma_start3A_84 = tpu.memref_slice %arg2[%dma_start3A_82, %dma_start3A_83] : memref<10000x128xf32, #tpu.memory_space<hbm>> -> memref<10000x128xf32, #tpu.memory_space<hbm>>
        tpu.enqueue_indirect_dma source(%dma_start3A_84 : memref<10000x128xf32, #tpu.memory_space<hbm>>) target(%arg8 : memref<125x128xf32, #tpu.memory_space<vmem>>) offsets(%dma_start3A_81 : memref<125xi32, #tpu.memory_space<vmem>>) semaphore(%arg11 : memref<!tpu.dma_semaphore, #tpu.memory_space<semaphore_mem>>)
        %mul3A_85 = arith.constant 2 : i32
        %mul3A_86 = arith.muli %scan3A_66, %mul3A_85 : i32
        %add3A_87 = arith.constant 1 : i32
        %add3A_88 = arith.addi %mul3A_86, %add3A_87 : i32
        %dma_wait3A_89 = arith.constant 0 : i32
        %dma_wait3A_90 = tpu.memref_slice %arg6[%add3A_88, %dma_wait3A_89] : memref<40x125xi32, #tpu.memory_space<vmem>> -> memref<1x125xi32, #tpu.memory_space<vmem>>
        %dma_wait3A_91 = tpu.memref_squeeze %dma_wait3A_90 : memref<1x125xi32, #tpu.memory_space<vmem>> -> memref<125xi32, #tpu.memory_space<vmem>>
        %dma_wait3A_92 = arith.constant 0 : i32
        %dma_wait3A_93 = arith.constant 0 : i32
        %dma_wait3A_94 = tpu.memref_slice %arg2[%dma_wait3A_92, %dma_wait3A_93] : memref<10000x128xf32, #tpu.memory_space<hbm>> -> memref<10000x128xf32, #tpu.memory_space<hbm>>
        tpu.wait_indirect_dma semaphore(%arg12 : memref<!tpu.dma_semaphore, #tpu.memory_space<semaphore_mem>>) src(%dma_wait3A_94 : memref<10000x128xf32, #tpu.memory_space<hbm>>) dst(%arg9 : memref<125x128xf32, #tpu.memory_space<vmem>>)
        "tpu.region"() ({
          %run_scoped3A_103 = tpu.sem_alloc : memref<!tpu.dma_semaphore, #tpu.memory_space<semaphore_mem>>
          %dma_start3A_104 = arith.constant 0 : i32
          %dma_start3A_105 = tpu.memref_slice %arg7[%add3A_88, %dma_start3A_104] : memref<40x125xi32, #tpu.memory_space<vmem>> -> memref<1x125xi32, #tpu.memory_space<vmem>>
          %dma_start3A_106 = tpu.memref_squeeze %dma_start3A_105 : memref<1x125xi32, #tpu.memory_space<vmem>> -> memref<125xi32, #tpu.memory_space<vmem>>
          %dma_start3A_107 = arith.constant 0 : i32
          %dma_start3A_108 = arith.constant 0 : i32
          %dma_start3A_109 = tpu.memref_slice %arg10[%dma_start3A_107, %dma_start3A_108] : memref<10000x128xf32, #tpu.memory_space<vmem_shared>> -> memref<10000x128xf32, #tpu.memory_space<vmem_shared>>
          tpu.enqueue_indirect_dma source(%arg9 : memref<125x128xf32, #tpu.memory_space<vmem>>) target(%dma_start3A_109 : memref<10000x128xf32, #tpu.memory_space<vmem_shared>>) offsets(%dma_start3A_106 : memref<125xi32, #tpu.memory_space<vmem>>) semaphore(%run_scoped3A_103 : memref<!tpu.dma_semaphore, #tpu.memory_space<semaphore_mem>>) {add = true}
          %dma_wait3A_110 = arith.constant 0 : i32
          %dma_wait3A_111 = tpu.memref_slice %arg7[%add3A_88, %dma_wait3A_110] : memref<40x125xi32, #tpu.memory_space<vmem>> -> memref<1x125xi32, #tpu.memory_space<vmem>>
          %dma_wait3A_112 = tpu.memref_squeeze %dma_wait3A_111 : memref<1x125xi32, #tpu.memory_space<vmem>> -> memref<125xi32, #tpu.memory_space<vmem>>
          %dma_wait3A_113 = arith.constant 0 : i32
          %dma_wait3A_114 = arith.constant 0 : i32
          %dma_wait3A_115 = tpu.memref_slice %arg10[%dma_wait3A_113, %dma_wait3A_114] : memref<10000x128xf32, #tpu.memory_space<vmem_shared>> -> memref<10000x128xf32, #tpu.memory_space<vmem_shared>>
          tpu.wait_indirect_dma semaphore(%run_scoped3A_103 : memref<!tpu.dma_semaphore, #tpu.memory_space<semaphore_mem>>) src(%arg9 : memref<125x128xf32, #tpu.memory_space<vmem>>) dst(%dma_wait3A_115 : memref<10000x128xf32, #tpu.memory_space<vmem_shared>>)
          tpu.yield
        }) : () -> ()
        %add3A_95 = arith.constant 2 : i32
        %add3A_96 = arith.addi %add3A_88, %add3A_95 : i32
        %dma_start3A_97 = arith.constant 0 : i32
        %dma_start3A_98 = tpu.memref_slice %arg6[%add3A_96, %dma_start3A_97] : memref<40x125xi32, #tpu.memory_space<vmem>> -> memref<1x125xi32, #tpu.memory_space<vmem>>
        %dma_start3A_99 = tpu.memref_squeeze %dma_start3A_98 : memref<1x125xi32, #tpu.memory_space<vmem>> -> memref<125xi32, #tpu.memory_space<vmem>>
        %dma_start3A_100 = arith.constant 0 : i32
        %dma_start3A_101 = arith.constant 0 : i32
        %dma_start3A_102 = tpu.memref_slice %arg2[%dma_start3A_100, %dma_start3A_101] : memref<10000x128xf32, #tpu.memory_space<hbm>> -> memref<10000x128xf32, #tpu.memory_space<hbm>>
        tpu.enqueue_indirect_dma source(%dma_start3A_102 : memref<10000x128xf32, #tpu.memory_space<hbm>>) target(%arg9 : memref<125x128xf32, #tpu.memory_space<vmem>>) offsets(%dma_start3A_99 : memref<125xi32, #tpu.memory_space<vmem>>) semaphore(%arg12 : memref<!tpu.dma_semaphore, #tpu.memory_space<semaphore_mem>>)
      }
      %scan3A_51 = arith.constant 19 : i32
      %dma_wait3A = arith.constant 38 : i32
      %dma_wait3A_52 = arith.constant 0 : i32
      %dma_wait3A_53 = tpu.memref_slice %arg6[%dma_wait3A, %dma_wait3A_52] : memref<40x125xi32, #tpu.memory_space<vmem>> -> memref<1x125xi32, #tpu.memory_space<vmem>>
      %dma_wait3A_54 = tpu.memref_squeeze %dma_wait3A_53 : memref<1x125xi32, #tpu.memory_space<vmem>> -> memref<125xi32, #tpu.memory_space<vmem>>
      %dma_wait3A_55 = arith.constant 0 : i32
      %dma_wait3A_56 = arith.constant 0 : i32
      %dma_wait3A_57 = tpu.memref_slice %arg2[%dma_wait3A_55, %dma_wait3A_56] : memref<10000x128xf32, #tpu.memory_space<hbm>> -> memref<10000x128xf32, #tpu.memory_space<hbm>>
      tpu.wait_indirect_dma semaphore(%arg11 : memref<!tpu.dma_semaphore, #tpu.memory_space<semaphore_mem>>) src(%dma_wait3A_57 : memref<10000x128xf32, #tpu.memory_space<hbm>>) dst(%arg8 : memref<125x128xf32, #tpu.memory_space<vmem>>)
      %run_scoped3A = arith.constant 38 : i32
      "tpu.region"() ({
        %run_scoped3A_66 = tpu.sem_alloc : memref<!tpu.dma_semaphore, #tpu.memory_space<semaphore_mem>>
        %dma_start3A_67 = arith.constant 0 : i32
        %dma_start3A_68 = tpu.memref_slice %arg7[%run_scoped3A, %dma_start3A_67] : memref<40x125xi32, #tpu.memory_space<vmem>> -> memref<1x125xi32, #tpu.memory_space<vmem>>
        %dma_start3A_69 = tpu.memref_squeeze %dma_start3A_68 : memref<1x125xi32, #tpu.memory_space<vmem>> -> memref<125xi32, #tpu.memory_space<vmem>>
        %dma_start3A_70 = arith.constant 0 : i32
        %dma_start3A_71 = arith.constant 0 : i32
        %dma_start3A_72 = tpu.memref_slice %arg10[%dma_start3A_70, %dma_start3A_71] : memref<10000x128xf32, #tpu.memory_space<vmem_shared>> -> memref<10000x128xf32, #tpu.memory_space<vmem_shared>>
        tpu.enqueue_indirect_dma source(%arg8 : memref<125x128xf32, #tpu.memory_space<vmem>>) target(%dma_start3A_72 : memref<10000x128xf32, #tpu.memory_space<vmem_shared>>) offsets(%dma_start3A_69 : memref<125xi32, #tpu.memory_space<vmem>>) semaphore(%run_scoped3A_66 : memref<!tpu.dma_semaphore, #tpu.memory_space<semaphore_mem>>) {add = true}
        %dma_wait3A_73 = arith.constant 0 : i32
        %dma_wait3A_74 = tpu.memref_slice %arg7[%run_scoped3A, %dma_wait3A_73] : memref<40x125xi32, #tpu.memory_space<vmem>> -> memref<1x125xi32, #tpu.memory_space<vmem>>
        %dma_wait3A_75 = tpu.memref_squeeze %dma_wait3A_74 : memref<1x125xi32, #tpu.memory_space<vmem>> -> memref<125xi32, #tpu.memory_space<vmem>>
        %dma_wait3A_76 = arith.constant 0 : i32
        %dma_wait3A_77 = arith.constant 0 : i32
        %dma_wait3A_78 = tpu.memref_slice %arg10[%dma_wait3A_76, %dma_wait3A_77] : memref<10000x128xf32, #tpu.memory_space<vmem_shared>> -> memref<10000x128xf32, #tpu.memory_space<vmem_shared>>
        tpu.wait_indirect_dma semaphore(%run_scoped3A_66 : memref<!tpu.dma_semaphore, #tpu.memory_space<semaphore_mem>>) src(%arg8 : memref<125x128xf32, #tpu.memory_space<vmem>>) dst(%dma_wait3A_78 : memref<10000x128xf32, #tpu.memory_space<vmem_shared>>)
        tpu.yield
      }) : () -> ()
      %dma_wait3A_58 = arith.constant 39 : i32
      %dma_wait3A_59 = arith.constant 0 : i32
      %dma_wait3A_60 = tpu.memref_slice %arg6[%dma_wait3A_58, %dma_wait3A_59] : memref<40x125xi32, #tpu.memory_space<vmem>> -> memref<1x125xi32, #tpu.memory_space<vmem>>
      %dma_wait3A_61 = tpu.memref_squeeze %dma_wait3A_60 : memref<1x125xi32, #tpu.memory_space<vmem>> -> memref<125xi32, #tpu.memory_space<vmem>>
      %dma_wait3A_62 = arith.constant 0 : i32
      %dma_wait3A_63 = arith.constant 0 : i32
      %dma_wait3A_64 = tpu.memref_slice %arg2[%dma_wait3A_62, %dma_wait3A_63] : memref<10000x128xf32, #tpu.memory_space<hbm>> -> memref<10000x128xf32, #tpu.memory_space<hbm>>
      tpu.wait_indirect_dma semaphore(%arg12 : memref<!tpu.dma_semaphore, #tpu.memory_space<semaphore_mem>>) src(%dma_wait3A_64 : memref<10000x128xf32, #tpu.memory_space<hbm>>) dst(%arg9 : memref<125x128xf32, #tpu.memory_space<vmem>>)
      %run_scoped3A_65 = arith.constant 39 : i32
      "tpu.region"() ({
        %run_scoped3A_66 = tpu.sem_alloc : memref<!tpu.dma_semaphore, #tpu.memory_space<semaphore_mem>>
        %dma_start3A_67 = arith.constant 0 : i32
        %dma_start3A_68 = tpu.memref_slice %arg7[%run_scoped3A_65, %dma_start3A_67] : memref<40x125xi32, #tpu.memory_space<vmem>> -> memref<1x125xi32, #tpu.memory_space<vmem>>
        %dma_start3A_69 = tpu.memref_squeeze %dma_start3A_68 : memref<1x125xi32, #tpu.memory_space<vmem>> -> memref<125xi32, #tpu.memory_space<vmem>>
        %dma_start3A_70 = arith.constant 0 : i32
        %dma_start3A_71 = arith.constant 0 : i32
        %dma_start3A_72 = tpu.memref_slice %arg10[%dma_start3A_70, %dma_start3A_71] : memref<10000x128xf32, #tpu.memory_space<vmem_shared>> -> memref<10000x128xf32, #tpu.memory_space<vmem_shared>>
        tpu.enqueue_indirect_dma source(%arg9 : memref<125x128xf32, #tpu.memory_space<vmem>>) target(%dma_start3A_72 : memref<10000x128xf32, #tpu.memory_space<vmem_shared>>) offsets(%dma_start3A_69 : memref<125xi32, #tpu.memory_space<vmem>>) semaphore(%run_scoped3A_66 : memref<!tpu.dma_semaphore, #tpu.memory_space<semaphore_mem>>) {add = true}
        %dma_wait3A_73 = arith.constant 0 : i32
        %dma_wait3A_74 = tpu.memref_slice %arg7[%run_scoped3A_65, %dma_wait3A_73] : memref<40x125xi32, #tpu.memory_space<vmem>> -> memref<1x125xi32, #tpu.memory_space<vmem>>
        %dma_wait3A_75 = tpu.memref_squeeze %dma_wait3A_74 : memref<1x125xi32, #tpu.memory_space<vmem>> -> memref<125xi32, #tpu.memory_space<vmem>>
        %dma_wait3A_76 = arith.constant 0 : i32
        %dma_wait3A_77 = arith.constant 0 : i32
        %dma_wait3A_78 = tpu.memref_slice %arg10[%dma_wait3A_76, %dma_wait3A_77] : memref<10000x128xf32, #tpu.memory_space<vmem_shared>> -> memref<10000x128xf32, #tpu.memory_space<vmem_shared>>
        tpu.wait_indirect_dma semaphore(%run_scoped3A_66 : memref<!tpu.dma_semaphore, #tpu.memory_space<semaphore_mem>>) src(%arg9 : memref<125x128xf32, #tpu.memory_space<vmem>>) dst(%dma_wait3A_78 : memref<10000x128xf32, #tpu.memory_space<vmem_shared>>)
        tpu.yield
      }) : () -> ()
    }
    %scan3A_13 = arith.constant 2 : i32
    %barrier3A = arith.constant 0 : index
    tpu.barrier barrier_id(%barrier3A)
    %lt3A_14 = arith.constant 15 : i32
    %lt3A_15 = arith.cmpi slt, %arg1, %lt3A_14 : i32
    %convert_element_type3A_16 = arith.extui %lt3A_15 : i1 to i32
    %cond3A_17 = arith.constant 0 : i32
    %cond3A_18 = arith.cmpi ne, %convert_element_type3A_16, %cond3A_17 : i32
    scf.if %cond3A_18 {
      "tpu.region"() ({
        %run_scoped3A = tpu.sem_alloc : memref<!tpu.dma_semaphore, #tpu.memory_space<semaphore_mem>>
        %dma_start3A = arith.constant 0 : i32
        %dma_start3A_24 = tpu.memref_slice %arg5[%arg0, %multiple_of3A, %dma_start3A] : memref<2x10000x128xf32, #tpu.memory_space<hbm>> -> memref<1x632x128xf32, #tpu.memory_space<hbm>>
        %dma_start3A_25 = tpu.memref_squeeze %dma_start3A_24 : memref<1x632x128xf32, #tpu.memory_space<hbm>> -> memref<632x128xf32, #tpu.memory_space<hbm>>
        %dma_start3A_26 = arith.constant 0 : i32
        %dma_start3A_27 = tpu.memref_slice %arg10[%multiple_of3A, %dma_start3A_26] : memref<10000x128xf32, #tpu.memory_space<vmem_shared>> -> memref<632x128xf32, #tpu.memory_space<vmem_shared>>
        tpu.enqueue_dma source(%dma_start3A_27 : memref<632x128xf32, #tpu.memory_space<vmem_shared>>) target(%dma_start3A_25 : memref<632x128xf32, #tpu.memory_space<hbm>>) target_semaphore(%run_scoped3A : memref<!tpu.dma_semaphore, #tpu.memory_space<semaphore_mem>>)
        %dma_wait3A = arith.constant 0 : i32
        %dma_wait3A_28 = tpu.memref_slice %arg5[%arg0, %multiple_of3A, %dma_wait3A] : memref<2x10000x128xf32, #tpu.memory_space<hbm>> -> memref<1x632x128xf32, #tpu.memory_space<hbm>>
        %dma_wait3A_29 = tpu.memref_squeeze %dma_wait3A_28 : memref<1x632x128xf32, #tpu.memory_space<hbm>> -> memref<632x128xf32, #tpu.memory_space<hbm>>
        %dma_wait3A_30 = arith.constant 0 : i32
        %dma_wait3A_31 = tpu.memref_slice %arg10[%multiple_of3A, %dma_wait3A_30] : memref<10000x128xf32, #tpu.memory_space<vmem_shared>> -> memref<632x128xf32, #tpu.memory_space<vmem_shared>>
        tpu.wait_dma2 semaphore(%run_scoped3A : memref<!tpu.dma_semaphore, #tpu.memory_space<semaphore_mem>>) src(%dma_wait3A_31 : memref<632x128xf32, #tpu.memory_space<vmem_shared>>) dst(%dma_wait3A_29 : memref<632x128xf32, #tpu.memory_space<hbm>>)
        tpu.yield
      }) : () -> ()
    } else {
    }
    %eq3A_19 = arith.constant 15 : i32
    %eq3A_20 = arith.cmpi eq, %arg1, %eq3A_19 : i32
    %convert_element_type3A_21 = arith.extui %eq3A_20 : i1 to i32
    %cond3A_22 = arith.constant 0 : i32
    %cond3A_23 = arith.cmpi ne, %convert_element_type3A_21, %cond3A_22 : i32
    scf.if %cond3A_23 {
      "tpu.region"() ({
        %run_scoped3A = tpu.sem_alloc : memref<!tpu.dma_semaphore, #tpu.memory_space<semaphore_mem>>
        %dma_start3A = arith.constant 0 : i32
        %dma_start3A_24 = tpu.memref_slice %arg5[%arg0, %multiple_of3A, %dma_start3A] : memref<2x10000x128xf32, #tpu.memory_space<hbm>> -> memref<1x520x128xf32, #tpu.memory_space<hbm>>
        %dma_start3A_25 = tpu.memref_squeeze %dma_start3A_24 : memref<1x520x128xf32, #tpu.memory_space<hbm>> -> memref<520x128xf32, #tpu.memory_space<hbm>>
        %dma_start3A_26 = arith.constant 0 : i32
        %dma_start3A_27 = tpu.memref_slice %arg10[%multiple_of3A, %dma_start3A_26] : memref<10000x128xf32, #tpu.memory_space<vmem_shared>> -> memref<520x128xf32, #tpu.memory_space<vmem_shared>>
        tpu.enqueue_dma source(%dma_start3A_27 : memref<520x128xf32, #tpu.memory_space<vmem_shared>>) target(%dma_start3A_25 : memref<520x128xf32, #tpu.memory_space<hbm>>) target_semaphore(%run_scoped3A : memref<!tpu.dma_semaphore, #tpu.memory_space<semaphore_mem>>)
        %dma_wait3A = arith.constant 0 : i32
        %dma_wait3A_28 = tpu.memref_slice %arg5[%arg0, %multiple_of3A, %dma_wait3A] : memref<2x10000x128xf32, #tpu.memory_space<hbm>> -> memref<1x520x128xf32, #tpu.memory_space<hbm>>
        %dma_wait3A_29 = tpu.memref_squeeze %dma_wait3A_28 : memref<1x520x128xf32, #tpu.memory_space<hbm>> -> memref<520x128xf32, #tpu.memory_space<hbm>>
        %dma_wait3A_30 = arith.constant 0 : i32
        %dma_wait3A_31 = tpu.memref_slice %arg10[%multiple_of3A, %dma_wait3A_30] : memref<10000x128xf32, #tpu.memory_space<vmem_shared>> -> memref<520x128xf32, #tpu.memory_space<vmem_shared>>
        tpu.wait_dma2 semaphore(%run_scoped3A : memref<!tpu.dma_semaphore, #tpu.memory_space<semaphore_mem>>) src(%dma_wait3A_31 : memref<520x128xf32, #tpu.memory_space<vmem_shared>>) dst(%dma_wait3A_29 : memref<520x128xf32, #tpu.memory_space<hbm>>)
        tpu.yield
      }) : () -> ()
    } else {
    }
    return
  }
}

#map = affine_map<(d0, d1) -> (0, 0)>
#map1 = affine_map<(d0, d1) -> (0, 0, 0)>
module attributes {stable_mosaic.version = 14 : i64} {
  func.func @_sc_agg_body(%arg0: i32, %arg1: i32, %arg2: memref<10000x128xf32, #tpu.memory_space<hbm>>, %arg3: memref<32x80x125xi32, #tpu.memory_space<hbm>>, %arg4: memref<32x80x125xi32, #tpu.memory_space<hbm>>, %arg5: memref<2x10000x128xf32, #tpu.memory_space<hbm>>, %arg6: memref<40x125xi32, #tpu.memory_space<vmem>>, %arg7: memref<40x125xi32, #tpu.memory_space<vmem>>, %arg8: memref<125x128xf32, #tpu.memory_space<vmem>>, %arg9: memref<125x128xf32, #tpu.memory_space<vmem>>, %arg10: memref<10000x128xf32, #tpu.memory_space<vmem_shared>>, %arg11: memref<!tpu.dma_semaphore, #tpu.memory_space<semaphore_mem>>, %arg12: memref<!tpu.dma_semaphore, #tpu.memory_space<semaphore_mem>>, %arg13: memref<!tpu.dma_semaphore, #tpu.memory_space<semaphore_mem>>) attributes {dimension_semantics = [#tpu.dimension_semantics<core_parallel>, #tpu.dimension_semantics<subcore_parallel>], iteration_bounds = array<i64: 2, 16>, scalar_prefetch = 0 : i64, scratch_operands = 8 : i64, tpu.core_type = #tpu.core_type<sc_vector_subcore>, window_params = [{transform_indices = #map}, {transform_indices = #map1}, {transform_indices = #map1}, {transform_indices = #map1}]} {
    %mul3A = arith.constant 2 : i32
    %mul3A_0 = arith.muli %arg1, %mul3A : i32
    %add3A = arith.addi %mul3A_0, %arg0 : i32
    %mul3A_1 = arith.constant 632 : i32
    %mul3A_2 = arith.muli %arg1, %mul3A_1 : i32
    %multiple_of3A = tpu.assume_multiple %mul3A_2, 8 : i32
    %lt3A = arith.constant 15 : i32
    %lt3A_3 = arith.cmpi slt, %arg1, %lt3A : i32
    %convert_element_type3A = arith.extui %lt3A_3 : i1 to i32
    %cond3A = arith.constant 0 : i32
    %cond3A_4 = arith.cmpi ne, %convert_element_type3A, %cond3A : i32
    scf.if %cond3A_4 {
      %dma_start3A = arith.constant 0 : i32
      %dma_start3A_24 = tpu.memref_slice %arg10[%multiple_of3A, %dma_start3A] : memref<10000x128xf32, #tpu.memory_space<vmem_shared>> -> memref<632x128xf32, #tpu.memory_space<vmem_shared>>
      %dma_start3A_25 = arith.constant 0 : i32
      %dma_start3A_26 = tpu.memref_slice %arg2[%multiple_of3A, %dma_start3A_25] : memref<10000x128xf32, #tpu.memory_space<hbm>> -> memref<632x128xf32, #tpu.memory_space<hbm>>
      tpu.enqueue_dma source(%dma_start3A_26 : memref<632x128xf32, #tpu.memory_space<hbm>>) target(%dma_start3A_24 : memref<632x128xf32, #tpu.memory_space<vmem_shared>>) target_semaphore(%arg13 : memref<!tpu.dma_semaphore, #tpu.memory_space<semaphore_mem>>)
    } else {
    }
    %eq3A = arith.constant 15 : i32
    %eq3A_5 = arith.cmpi eq, %arg1, %eq3A : i32
    %convert_element_type3A_6 = arith.extui %eq3A_5 : i1 to i32
    %cond3A_7 = arith.constant 0 : i32
    %cond3A_8 = arith.cmpi ne, %convert_element_type3A_6, %cond3A_7 : i32
    scf.if %cond3A_8 {
      %dma_start3A = arith.constant 0 : i32
      %dma_start3A_24 = tpu.memref_slice %arg10[%multiple_of3A, %dma_start3A] : memref<10000x128xf32, #tpu.memory_space<vmem_shared>> -> memref<520x128xf32, #tpu.memory_space<vmem_shared>>
      %dma_start3A_25 = arith.constant 0 : i32
      %dma_start3A_26 = tpu.memref_slice %arg2[%multiple_of3A, %dma_start3A_25] : memref<10000x128xf32, #tpu.memory_space<hbm>> -> memref<520x128xf32, #tpu.memory_space<hbm>>
      tpu.enqueue_dma source(%dma_start3A_26 : memref<520x128xf32, #tpu.memory_space<hbm>>) target(%dma_start3A_24 : memref<520x128xf32, #tpu.memory_space<vmem_shared>>) target_semaphore(%arg13 : memref<!tpu.dma_semaphore, #tpu.memory_space<semaphore_mem>>)
    } else {
    }
    %scan3A = arith.constant 0 : i32
    %scan3A_9 = arith.constant 0 : i32
    %scan3A_10 = arith.constant 2 : i32
    %scan3A_11 = arith.addi %scan3A_9, %scan3A_10 : i32
    %scan3A_12 = arith.constant 1 : i32
    scf.for %scan3A_24 = %scan3A_9 to %scan3A_11 step %scan3A_12  : i32 {
      %mul3A_25 = arith.constant 40 : i32
      %mul3A_26 = arith.muli %scan3A_24, %mul3A_25 : i32
      %multiple_of3A_27 = tpu.assume_multiple %mul3A_26, 8 : i32
      "tpu.region"() ({
        %run_scoped3A_66 = tpu.sem_alloc : memref<!tpu.dma_semaphore, #tpu.memory_space<semaphore_mem>>
        %dma_start3A_67 = arith.constant 0 : i32
        %dma_start3A_68 = tpu.memref_slice %arg3[%add3A, %multiple_of3A_27, %dma_start3A_67] : memref<32x80x125xi32, #tpu.memory_space<hbm>> -> memref<1x40x125xi32, #tpu.memory_space<hbm>>
        %dma_start3A_69 = tpu.memref_squeeze %dma_start3A_68 : memref<1x40x125xi32, #tpu.memory_space<hbm>> -> memref<40x125xi32, #tpu.memory_space<hbm>>
        %dma_start3A_70 = arith.constant 0 : i32
        %dma_start3A_71 = tpu.memref_slice %arg3[%add3A, %multiple_of3A_27, %dma_start3A_70] : memref<32x80x125xi32, #tpu.memory_space<hbm>> -> memref<1x40x125xi32, #tpu.memory_space<hbm>>
        %dma_start3A_72 = tpu.memref_squeeze %dma_start3A_71 : memref<1x40x125xi32, #tpu.memory_space<hbm>> -> memref<40x125xi32, #tpu.memory_space<hbm>>
        tpu.enqueue_dma source(%dma_start3A_72 : memref<40x125xi32, #tpu.memory_space<hbm>>) target(%arg6 : memref<40x125xi32, #tpu.memory_space<vmem>>) target_semaphore(%run_scoped3A_66 : memref<!tpu.dma_semaphore, #tpu.memory_space<semaphore_mem>>)
        %dma_wait3A_73 = arith.constant 0 : i32
        %dma_wait3A_74 = tpu.memref_slice %arg3[%add3A, %multiple_of3A_27, %dma_wait3A_73] : memref<32x80x125xi32, #tpu.memory_space<hbm>> -> memref<1x40x125xi32, #tpu.memory_space<hbm>>
        %dma_wait3A_75 = tpu.memref_squeeze %dma_wait3A_74 : memref<1x40x125xi32, #tpu.memory_space<hbm>> -> memref<40x125xi32, #tpu.memory_space<hbm>>
        %dma_wait3A_76 = arith.constant 0 : i32
        %dma_wait3A_77 = tpu.memref_slice %arg3[%add3A, %multiple_of3A_27, %dma_wait3A_76] : memref<32x80x125xi32, #tpu.memory_space<hbm>> -> memref<1x40x125xi32, #tpu.memory_space<hbm>>
        %dma_wait3A_78 = tpu.memref_squeeze %dma_wait3A_77 : memref<1x40x125xi32, #tpu.memory_space<hbm>> -> memref<40x125xi32, #tpu.memory_space<hbm>>
        tpu.wait_dma2 semaphore(%run_scoped3A_66 : memref<!tpu.dma_semaphore, #tpu.memory_space<semaphore_mem>>) src(%dma_wait3A_78 : memref<40x125xi32, #tpu.memory_space<hbm>>) dst(%arg6 : memref<40x125xi32, #tpu.memory_space<vmem>>)
        tpu.yield
      }) : () -> ()
      "tpu.region"() ({
        %run_scoped3A_66 = tpu.sem_alloc : memref<!tpu.dma_semaphore, #tpu.memory_space<semaphore_mem>>
        %dma_start3A_67 = arith.constant 0 : i32
        %dma_start3A_68 = tpu.memref_slice %arg4[%add3A, %multiple_of3A_27, %dma_start3A_67] : memref<32x80x125xi32, #tpu.memory_space<hbm>> -> memref<1x40x125xi32, #tpu.memory_space<hbm>>
        %dma_start3A_69 = tpu.memref_squeeze %dma_start3A_68 : memref<1x40x125xi32, #tpu.memory_space<hbm>> -> memref<40x125xi32, #tpu.memory_space<hbm>>
        %dma_start3A_70 = arith.constant 0 : i32
        %dma_start3A_71 = tpu.memref_slice %arg4[%add3A, %multiple_of3A_27, %dma_start3A_70] : memref<32x80x125xi32, #tpu.memory_space<hbm>> -> memref<1x40x125xi32, #tpu.memory_space<hbm>>
        %dma_start3A_72 = tpu.memref_squeeze %dma_start3A_71 : memref<1x40x125xi32, #tpu.memory_space<hbm>> -> memref<40x125xi32, #tpu.memory_space<hbm>>
        tpu.enqueue_dma source(%dma_start3A_72 : memref<40x125xi32, #tpu.memory_space<hbm>>) target(%arg7 : memref<40x125xi32, #tpu.memory_space<vmem>>) target_semaphore(%run_scoped3A_66 : memref<!tpu.dma_semaphore, #tpu.memory_space<semaphore_mem>>)
        %dma_wait3A_73 = arith.constant 0 : i32
        %dma_wait3A_74 = tpu.memref_slice %arg4[%add3A, %multiple_of3A_27, %dma_wait3A_73] : memref<32x80x125xi32, #tpu.memory_space<hbm>> -> memref<1x40x125xi32, #tpu.memory_space<hbm>>
        %dma_wait3A_75 = tpu.memref_squeeze %dma_wait3A_74 : memref<1x40x125xi32, #tpu.memory_space<hbm>> -> memref<40x125xi32, #tpu.memory_space<hbm>>
        %dma_wait3A_76 = arith.constant 0 : i32
        %dma_wait3A_77 = tpu.memref_slice %arg4[%add3A, %multiple_of3A_27, %dma_wait3A_76] : memref<32x80x125xi32, #tpu.memory_space<hbm>> -> memref<1x40x125xi32, #tpu.memory_space<hbm>>
        %dma_wait3A_78 = tpu.memref_squeeze %dma_wait3A_77 : memref<1x40x125xi32, #tpu.memory_space<hbm>> -> memref<40x125xi32, #tpu.memory_space<hbm>>
        tpu.wait_dma2 semaphore(%run_scoped3A_66 : memref<!tpu.dma_semaphore, #tpu.memory_space<semaphore_mem>>) src(%dma_wait3A_78 : memref<40x125xi32, #tpu.memory_space<hbm>>) dst(%arg7 : memref<40x125xi32, #tpu.memory_space<vmem>>)
        tpu.yield
      }) : () -> ()
      %dma_start3A = arith.constant 0 : i32
      %dma_start3A_28 = arith.constant 0 : i32
      %dma_start3A_29 = tpu.memref_slice %arg6[%dma_start3A, %dma_start3A_28] : memref<40x125xi32, #tpu.memory_space<vmem>> -> memref<1x125xi32, #tpu.memory_space<vmem>>
      %dma_start3A_30 = tpu.memref_squeeze %dma_start3A_29 : memref<1x125xi32, #tpu.memory_space<vmem>> -> memref<125xi32, #tpu.memory_space<vmem>>
      %dma_start3A_31 = arith.constant 0 : i32
      %dma_start3A_32 = arith.constant 0 : i32
      %dma_start3A_33 = tpu.memref_slice %arg2[%dma_start3A_31, %dma_start3A_32] : memref<10000x128xf32, #tpu.memory_space<hbm>> -> memref<10000x128xf32, #tpu.memory_space<hbm>>
      tpu.enqueue_indirect_dma source(%dma_start3A_33 : memref<10000x128xf32, #tpu.memory_space<hbm>>) target(%arg8 : memref<125x128xf32, #tpu.memory_space<vmem>>) offsets(%dma_start3A_30 : memref<125xi32, #tpu.memory_space<vmem>>) semaphore(%arg11 : memref<!tpu.dma_semaphore, #tpu.memory_space<semaphore_mem>>)
      %dma_start3A_34 = arith.constant 1 : i32
      %dma_start3A_35 = arith.constant 0 : i32
      %dma_start3A_36 = tpu.memref_slice %arg6[%dma_start3A_34, %dma_start3A_35] : memref<40x125xi32, #tpu.memory_space<vmem>> -> memref<1x125xi32, #tpu.memory_space<vmem>>
      %dma_start3A_37 = tpu.memref_squeeze %dma_start3A_36 : memref<1x125xi32, #tpu.memory_space<vmem>> -> memref<125xi32, #tpu.memory_space<vmem>>
      %dma_start3A_38 = arith.constant 0 : i32
      %dma_start3A_39 = arith.constant 0 : i32
      %dma_start3A_40 = tpu.memref_slice %arg2[%dma_start3A_38, %dma_start3A_39] : memref<10000x128xf32, #tpu.memory_space<hbm>> -> memref<10000x128xf32, #tpu.memory_space<hbm>>
      tpu.enqueue_indirect_dma source(%dma_start3A_40 : memref<10000x128xf32, #tpu.memory_space<hbm>>) target(%arg9 : memref<125x128xf32, #tpu.memory_space<vmem>>) offsets(%dma_start3A_37 : memref<125xi32, #tpu.memory_space<vmem>>) semaphore(%arg12 : memref<!tpu.dma_semaphore, #tpu.memory_space<semaphore_mem>>)
      %eq3A_41 = arith.constant 0 : i32
      %eq3A_42 = arith.cmpi eq, %scan3A_24, %eq3A_41 : i32
      %convert_element_type3A_43 = arith.extui %eq3A_42 : i1 to i32
      %cond3A_44 = arith.constant 0 : i32
      %cond3A_45 = arith.cmpi ne, %convert_element_type3A_43, %cond3A_44 : i32
      scf.if %cond3A_45 {
        %lt3A_66 = arith.constant 15 : i32
        %lt3A_67 = arith.cmpi slt, %arg1, %lt3A_66 : i32
        %convert_element_type3A_68 = arith.extui %lt3A_67 : i1 to i32
        %cond3A_69 = arith.constant 0 : i32
        %cond3A_70 = arith.cmpi ne, %convert_element_type3A_68, %cond3A_69 : i32
        scf.if %cond3A_70 {
          %dma_wait3A_77 = arith.constant 0 : i32
          %dma_wait3A_78 = tpu.memref_slice %arg10[%multiple_of3A, %dma_wait3A_77] : memref<10000x128xf32, #tpu.memory_space<vmem_shared>> -> memref<632x128xf32, #tpu.memory_space<vmem_shared>>
          %dma_wait3A_79 = arith.constant 0 : i32
          %dma_wait3A_80 = tpu.memref_slice %arg2[%multiple_of3A, %dma_wait3A_79] : memref<10000x128xf32, #tpu.memory_space<hbm>> -> memref<632x128xf32, #tpu.memory_space<hbm>>
          tpu.wait_dma2 semaphore(%arg13 : memref<!tpu.dma_semaphore, #tpu.memory_space<semaphore_mem>>) src(%dma_wait3A_80 : memref<632x128xf32, #tpu.memory_space<hbm>>) dst(%dma_wait3A_78 : memref<632x128xf32, #tpu.memory_space<vmem_shared>>)
        } else {
        }
        %eq3A_71 = arith.constant 15 : i32
        %eq3A_72 = arith.cmpi eq, %arg1, %eq3A_71 : i32
        %convert_element_type3A_73 = arith.extui %eq3A_72 : i1 to i32
        %cond3A_74 = arith.constant 0 : i32
        %cond3A_75 = arith.cmpi ne, %convert_element_type3A_73, %cond3A_74 : i32
        scf.if %cond3A_75 {
          %dma_wait3A_77 = arith.constant 0 : i32
          %dma_wait3A_78 = tpu.memref_slice %arg10[%multiple_of3A, %dma_wait3A_77] : memref<10000x128xf32, #tpu.memory_space<vmem_shared>> -> memref<520x128xf32, #tpu.memory_space<vmem_shared>>
          %dma_wait3A_79 = arith.constant 0 : i32
          %dma_wait3A_80 = tpu.memref_slice %arg2[%multiple_of3A, %dma_wait3A_79] : memref<10000x128xf32, #tpu.memory_space<hbm>> -> memref<520x128xf32, #tpu.memory_space<hbm>>
          tpu.wait_dma2 semaphore(%arg13 : memref<!tpu.dma_semaphore, #tpu.memory_space<semaphore_mem>>) src(%dma_wait3A_80 : memref<520x128xf32, #tpu.memory_space<hbm>>) dst(%dma_wait3A_78 : memref<520x128xf32, #tpu.memory_space<vmem_shared>>)
        } else {
        }
        %barrier3A_76 = arith.constant 0 : index
        tpu.barrier barrier_id(%barrier3A_76)
      } else {
      }
      %scan3A_46 = arith.constant 0 : i32
      %scan3A_47 = arith.constant 0 : i32
      %scan3A_48 = arith.constant 19 : i32
      %scan3A_49 = arith.addi %scan3A_47, %scan3A_48 : i32
      %scan3A_50 = arith.constant 1 : i32
      scf.for %scan3A_66 = %scan3A_47 to %scan3A_49 step %scan3A_50  : i32 {
        %mul3A_67 = arith.constant 2 : i32
        %mul3A_68 = arith.muli %scan3A_66, %mul3A_67 : i32
        %add3A_69 = arith.constant 0 : i32
        %add3A_70 = arith.addi %mul3A_68, %add3A_69 : i32
        %dma_wait3A_71 = arith.constant 0 : i32
        %dma_wait3A_72 = tpu.memref_slice %arg6[%add3A_70, %dma_wait3A_71] : memref<40x125xi32, #tpu.memory_space<vmem>> -> memref<1x125xi32, #tpu.memory_space<vmem>>
        %dma_wait3A_73 = tpu.memref_squeeze %dma_wait3A_72 : memref<1x125xi32, #tpu.memory_space<vmem>> -> memref<125xi32, #tpu.memory_space<vmem>>
        %dma_wait3A_74 = arith.constant 0 : i32
        %dma_wait3A_75 = arith.constant 0 : i32
        %dma_wait3A_76 = tpu.memref_slice %arg2[%dma_wait3A_74, %dma_wait3A_75] : memref<10000x128xf32, #tpu.memory_space<hbm>> -> memref<10000x128xf32, #tpu.memory_space<hbm>>
        tpu.wait_indirect_dma semaphore(%arg11 : memref<!tpu.dma_semaphore, #tpu.memory_space<semaphore_mem>>) src(%dma_wait3A_76 : memref<10000x128xf32, #tpu.memory_space<hbm>>) dst(%arg8 : memref<125x128xf32, #tpu.memory_space<vmem>>)
        "tpu.region"() ({
          %run_scoped3A_103 = tpu.sem_alloc : memref<!tpu.dma_semaphore, #tpu.memory_space<semaphore_mem>>
          %dma_start3A_104 = arith.constant 0 : i32
          %dma_start3A_105 = tpu.memref_slice %arg7[%add3A_70, %dma_start3A_104] : memref<40x125xi32, #tpu.memory_space<vmem>> -> memref<1x125xi32, #tpu.memory_space<vmem>>
          %dma_start3A_106 = tpu.memref_squeeze %dma_start3A_105 : memref<1x125xi32, #tpu.memory_space<vmem>> -> memref<125xi32, #tpu.memory_space<vmem>>
          %dma_start3A_107 = arith.constant 0 : i32
          %dma_start3A_108 = arith.constant 0 : i32
          %dma_start3A_109 = tpu.memref_slice %arg10[%dma_start3A_107, %dma_start3A_108] : memref<10000x128xf32, #tpu.memory_space<vmem_shared>> -> memref<10000x128xf32, #tpu.memory_space<vmem_shared>>
          tpu.enqueue_indirect_dma source(%arg8 : memref<125x128xf32, #tpu.memory_space<vmem>>) target(%dma_start3A_109 : memref<10000x128xf32, #tpu.memory_space<vmem_shared>>) offsets(%dma_start3A_106 : memref<125xi32, #tpu.memory_space<vmem>>) semaphore(%run_scoped3A_103 : memref<!tpu.dma_semaphore, #tpu.memory_space<semaphore_mem>>) {add = true}
          %dma_wait3A_110 = arith.constant 0 : i32
          %dma_wait3A_111 = tpu.memref_slice %arg7[%add3A_70, %dma_wait3A_110] : memref<40x125xi32, #tpu.memory_space<vmem>> -> memref<1x125xi32, #tpu.memory_space<vmem>>
          %dma_wait3A_112 = tpu.memref_squeeze %dma_wait3A_111 : memref<1x125xi32, #tpu.memory_space<vmem>> -> memref<125xi32, #tpu.memory_space<vmem>>
          %dma_wait3A_113 = arith.constant 0 : i32
          %dma_wait3A_114 = arith.constant 0 : i32
          %dma_wait3A_115 = tpu.memref_slice %arg10[%dma_wait3A_113, %dma_wait3A_114] : memref<10000x128xf32, #tpu.memory_space<vmem_shared>> -> memref<10000x128xf32, #tpu.memory_space<vmem_shared>>
          tpu.wait_indirect_dma semaphore(%run_scoped3A_103 : memref<!tpu.dma_semaphore, #tpu.memory_space<semaphore_mem>>) src(%arg8 : memref<125x128xf32, #tpu.memory_space<vmem>>) dst(%dma_wait3A_115 : memref<10000x128xf32, #tpu.memory_space<vmem_shared>>)
          tpu.yield
        }) : () -> ()
        %add3A_77 = arith.constant 2 : i32
        %add3A_78 = arith.addi %add3A_70, %add3A_77 : i32
        %dma_start3A_79 = arith.constant 0 : i32
        %dma_start3A_80 = tpu.memref_slice %arg6[%add3A_78, %dma_start3A_79] : memref<40x125xi32, #tpu.memory_space<vmem>> -> memref<1x125xi32, #tpu.memory_space<vmem>>
        %dma_start3A_81 = tpu.memref_squeeze %dma_start3A_80 : memref<1x125xi32, #tpu.memory_space<vmem>> -> memref<125xi32, #tpu.memory_space<vmem>>
        %dma_start3A_82 = arith.constant 0 : i32
        %dma_start3A_83 = arith.constant 0 : i32
        %dma_start3A_84 = tpu.memref_slice %arg2[%dma_start3A_82, %dma_start3A_83] : memref<10000x128xf32, #tpu.memory_space<hbm>> -> memref<10000x128xf32, #tpu.memory_space<hbm>>
        tpu.enqueue_indirect_dma source(%dma_start3A_84 : memref<10000x128xf32, #tpu.memory_space<hbm>>) target(%arg8 : memref<125x128xf32, #tpu.memory_space<vmem>>) offsets(%dma_start3A_81 : memref<125xi32, #tpu.memory_space<vmem>>) semaphore(%arg11 : memref<!tpu.dma_semaphore, #tpu.memory_space<semaphore_mem>>)
        %mul3A_85 = arith.constant 2 : i32
        %mul3A_86 = arith.muli %scan3A_66, %mul3A_85 : i32
        %add3A_87 = arith.constant 1 : i32
        %add3A_88 = arith.addi %mul3A_86, %add3A_87 : i32
        %dma_wait3A_89 = arith.constant 0 : i32
        %dma_wait3A_90 = tpu.memref_slice %arg6[%add3A_88, %dma_wait3A_89] : memref<40x125xi32, #tpu.memory_space<vmem>> -> memref<1x125xi32, #tpu.memory_space<vmem>>
        %dma_wait3A_91 = tpu.memref_squeeze %dma_wait3A_90 : memref<1x125xi32, #tpu.memory_space<vmem>> -> memref<125xi32, #tpu.memory_space<vmem>>
        %dma_wait3A_92 = arith.constant 0 : i32
        %dma_wait3A_93 = arith.constant 0 : i32
        %dma_wait3A_94 = tpu.memref_slice %arg2[%dma_wait3A_92, %dma_wait3A_93] : memref<10000x128xf32, #tpu.memory_space<hbm>> -> memref<10000x128xf32, #tpu.memory_space<hbm>>
        tpu.wait_indirect_dma semaphore(%arg12 : memref<!tpu.dma_semaphore, #tpu.memory_space<semaphore_mem>>) src(%dma_wait3A_94 : memref<10000x128xf32, #tpu.memory_space<hbm>>) dst(%arg9 : memref<125x128xf32, #tpu.memory_space<vmem>>)
        "tpu.region"() ({
          %run_scoped3A_103 = tpu.sem_alloc : memref<!tpu.dma_semaphore, #tpu.memory_space<semaphore_mem>>
          %dma_start3A_104 = arith.constant 0 : i32
          %dma_start3A_105 = tpu.memref_slice %arg7[%add3A_88, %dma_start3A_104] : memref<40x125xi32, #tpu.memory_space<vmem>> -> memref<1x125xi32, #tpu.memory_space<vmem>>
          %dma_start3A_106 = tpu.memref_squeeze %dma_start3A_105 : memref<1x125xi32, #tpu.memory_space<vmem>> -> memref<125xi32, #tpu.memory_space<vmem>>
          %dma_start3A_107 = arith.constant 0 : i32
          %dma_start3A_108 = arith.constant 0 : i32
          %dma_start3A_109 = tpu.memref_slice %arg10[%dma_start3A_107, %dma_start3A_108] : memref<10000x128xf32, #tpu.memory_space<vmem_shared>> -> memref<10000x128xf32, #tpu.memory_space<vmem_shared>>
          tpu.enqueue_indirect_dma source(%arg9 : memref<125x128xf32, #tpu.memory_space<vmem>>) target(%dma_start3A_109 : memref<10000x128xf32, #tpu.memory_space<vmem_shared>>) offsets(%dma_start3A_106 : memref<125xi32, #tpu.memory_space<vmem>>) semaphore(%run_scoped3A_103 : memref<!tpu.dma_semaphore, #tpu.memory_space<semaphore_mem>>) {add = true}
          %dma_wait3A_110 = arith.constant 0 : i32
          %dma_wait3A_111 = tpu.memref_slice %arg7[%add3A_88, %dma_wait3A_110] : memref<40x125xi32, #tpu.memory_space<vmem>> -> memref<1x125xi32, #tpu.memory_space<vmem>>
          %dma_wait3A_112 = tpu.memref_squeeze %dma_wait3A_111 : memref<1x125xi32, #tpu.memory_space<vmem>> -> memref<125xi32, #tpu.memory_space<vmem>>
          %dma_wait3A_113 = arith.constant 0 : i32
          %dma_wait3A_114 = arith.constant 0 : i32
          %dma_wait3A_115 = tpu.memref_slice %arg10[%dma_wait3A_113, %dma_wait3A_114] : memref<10000x128xf32, #tpu.memory_space<vmem_shared>> -> memref<10000x128xf32, #tpu.memory_space<vmem_shared>>
          tpu.wait_indirect_dma semaphore(%run_scoped3A_103 : memref<!tpu.dma_semaphore, #tpu.memory_space<semaphore_mem>>) src(%arg9 : memref<125x128xf32, #tpu.memory_space<vmem>>) dst(%dma_wait3A_115 : memref<10000x128xf32, #tpu.memory_space<vmem_shared>>)
          tpu.yield
        }) : () -> ()
        %add3A_95 = arith.constant 2 : i32
        %add3A_96 = arith.addi %add3A_88, %add3A_95 : i32
        %dma_start3A_97 = arith.constant 0 : i32
        %dma_start3A_98 = tpu.memref_slice %arg6[%add3A_96, %dma_start3A_97] : memref<40x125xi32, #tpu.memory_space<vmem>> -> memref<1x125xi32, #tpu.memory_space<vmem>>
        %dma_start3A_99 = tpu.memref_squeeze %dma_start3A_98 : memref<1x125xi32, #tpu.memory_space<vmem>> -> memref<125xi32, #tpu.memory_space<vmem>>
        %dma_start3A_100 = arith.constant 0 : i32
        %dma_start3A_101 = arith.constant 0 : i32
        %dma_start3A_102 = tpu.memref_slice %arg2[%dma_start3A_100, %dma_start3A_101] : memref<10000x128xf32, #tpu.memory_space<hbm>> -> memref<10000x128xf32, #tpu.memory_space<hbm>>
        tpu.enqueue_indirect_dma source(%dma_start3A_102 : memref<10000x128xf32, #tpu.memory_space<hbm>>) target(%arg9 : memref<125x128xf32, #tpu.memory_space<vmem>>) offsets(%dma_start3A_99 : memref<125xi32, #tpu.memory_space<vmem>>) semaphore(%arg12 : memref<!tpu.dma_semaphore, #tpu.memory_space<semaphore_mem>>)
      }
      %scan3A_51 = arith.constant 19 : i32
      %dma_wait3A = arith.constant 38 : i32
      %dma_wait3A_52 = arith.constant 0 : i32
      %dma_wait3A_53 = tpu.memref_slice %arg6[%dma_wait3A, %dma_wait3A_52] : memref<40x125xi32, #tpu.memory_space<vmem>> -> memref<1x125xi32, #tpu.memory_space<vmem>>
      %dma_wait3A_54 = tpu.memref_squeeze %dma_wait3A_53 : memref<1x125xi32, #tpu.memory_space<vmem>> -> memref<125xi32, #tpu.memory_space<vmem>>
      %dma_wait3A_55 = arith.constant 0 : i32
      %dma_wait3A_56 = arith.constant 0 : i32
      %dma_wait3A_57 = tpu.memref_slice %arg2[%dma_wait3A_55, %dma_wait3A_56] : memref<10000x128xf32, #tpu.memory_space<hbm>> -> memref<10000x128xf32, #tpu.memory_space<hbm>>
      tpu.wait_indirect_dma semaphore(%arg11 : memref<!tpu.dma_semaphore, #tpu.memory_space<semaphore_mem>>) src(%dma_wait3A_57 : memref<10000x128xf32, #tpu.memory_space<hbm>>) dst(%arg8 : memref<125x128xf32, #tpu.memory_space<vmem>>)
      %run_scoped3A = arith.constant 38 : i32
      "tpu.region"() ({
        %run_scoped3A_66 = tpu.sem_alloc : memref<!tpu.dma_semaphore, #tpu.memory_space<semaphore_mem>>
        %dma_start3A_67 = arith.constant 0 : i32
        %dma_start3A_68 = tpu.memref_slice %arg7[%run_scoped3A, %dma_start3A_67] : memref<40x125xi32, #tpu.memory_space<vmem>> -> memref<1x125xi32, #tpu.memory_space<vmem>>
        %dma_start3A_69 = tpu.memref_squeeze %dma_start3A_68 : memref<1x125xi32, #tpu.memory_space<vmem>> -> memref<125xi32, #tpu.memory_space<vmem>>
        %dma_start3A_70 = arith.constant 0 : i32
        %dma_start3A_71 = arith.constant 0 : i32
        %dma_start3A_72 = tpu.memref_slice %arg10[%dma_start3A_70, %dma_start3A_71] : memref<10000x128xf32, #tpu.memory_space<vmem_shared>> -> memref<10000x128xf32, #tpu.memory_space<vmem_shared>>
        tpu.enqueue_indirect_dma source(%arg8 : memref<125x128xf32, #tpu.memory_space<vmem>>) target(%dma_start3A_72 : memref<10000x128xf32, #tpu.memory_space<vmem_shared>>) offsets(%dma_start3A_69 : memref<125xi32, #tpu.memory_space<vmem>>) semaphore(%run_scoped3A_66 : memref<!tpu.dma_semaphore, #tpu.memory_space<semaphore_mem>>) {add = true}
        %dma_wait3A_73 = arith.constant 0 : i32
        %dma_wait3A_74 = tpu.memref_slice %arg7[%run_scoped3A, %dma_wait3A_73] : memref<40x125xi32, #tpu.memory_space<vmem>> -> memref<1x125xi32, #tpu.memory_space<vmem>>
        %dma_wait3A_75 = tpu.memref_squeeze %dma_wait3A_74 : memref<1x125xi32, #tpu.memory_space<vmem>> -> memref<125xi32, #tpu.memory_space<vmem>>
        %dma_wait3A_76 = arith.constant 0 : i32
        %dma_wait3A_77 = arith.constant 0 : i32
        %dma_wait3A_78 = tpu.memref_slice %arg10[%dma_wait3A_76, %dma_wait3A_77] : memref<10000x128xf32, #tpu.memory_space<vmem_shared>> -> memref<10000x128xf32, #tpu.memory_space<vmem_shared>>
        tpu.wait_indirect_dma semaphore(%run_scoped3A_66 : memref<!tpu.dma_semaphore, #tpu.memory_space<semaphore_mem>>) src(%arg8 : memref<125x128xf32, #tpu.memory_space<vmem>>) dst(%dma_wait3A_78 : memref<10000x128xf32, #tpu.memory_space<vmem_shared>>)
        tpu.yield
      }) : () -> ()
      %dma_wait3A_58 = arith.constant 39 : i32
      %dma_wait3A_59 = arith.constant 0 : i32
      %dma_wait3A_60 = tpu.memref_slice %arg6[%dma_wait3A_58, %dma_wait3A_59] : memref<40x125xi32, #tpu.memory_space<vmem>> -> memref<1x125xi32, #tpu.memory_space<vmem>>
      %dma_wait3A_61 = tpu.memref_squeeze %dma_wait3A_60 : memref<1x125xi32, #tpu.memory_space<vmem>> -> memref<125xi32, #tpu.memory_space<vmem>>
      %dma_wait3A_62 = arith.constant 0 : i32
      %dma_wait3A_63 = arith.constant 0 : i32
      %dma_wait3A_64 = tpu.memref_slice %arg2[%dma_wait3A_62, %dma_wait3A_63] : memref<10000x128xf32, #tpu.memory_space<hbm>> -> memref<10000x128xf32, #tpu.memory_space<hbm>>
      tpu.wait_indirect_dma semaphore(%arg12 : memref<!tpu.dma_semaphore, #tpu.memory_space<semaphore_mem>>) src(%dma_wait3A_64 : memref<10000x128xf32, #tpu.memory_space<hbm>>) dst(%arg9 : memref<125x128xf32, #tpu.memory_space<vmem>>)
      %run_scoped3A_65 = arith.constant 39 : i32
      "tpu.region"() ({
        %run_scoped3A_66 = tpu.sem_alloc : memref<!tpu.dma_semaphore, #tpu.memory_space<semaphore_mem>>
        %dma_start3A_67 = arith.constant 0 : i32
        %dma_start3A_68 = tpu.memref_slice %arg7[%run_scoped3A_65, %dma_start3A_67] : memref<40x125xi32, #tpu.memory_space<vmem>> -> memref<1x125xi32, #tpu.memory_space<vmem>>
        %dma_start3A_69 = tpu.memref_squeeze %dma_start3A_68 : memref<1x125xi32, #tpu.memory_space<vmem>> -> memref<125xi32, #tpu.memory_space<vmem>>
        %dma_start3A_70 = arith.constant 0 : i32
        %dma_start3A_71 = arith.constant 0 : i32
        %dma_start3A_72 = tpu.memref_slice %arg10[%dma_start3A_70, %dma_start3A_71] : memref<10000x128xf32, #tpu.memory_space<vmem_shared>> -> memref<10000x128xf32, #tpu.memory_space<vmem_shared>>
        tpu.enqueue_indirect_dma source(%arg9 : memref<125x128xf32, #tpu.memory_space<vmem>>) target(%dma_start3A_72 : memref<10000x128xf32, #tpu.memory_space<vmem_shared>>) offsets(%dma_start3A_69 : memref<125xi32, #tpu.memory_space<vmem>>) semaphore(%run_scoped3A_66 : memref<!tpu.dma_semaphore, #tpu.memory_space<semaphore_mem>>) {add = true}
        %dma_wait3A_73 = arith.constant 0 : i32
        %dma_wait3A_74 = tpu.memref_slice %arg7[%run_scoped3A_65, %dma_wait3A_73] : memref<40x125xi32, #tpu.memory_space<vmem>> -> memref<1x125xi32, #tpu.memory_space<vmem>>
        %dma_wait3A_75 = tpu.memref_squeeze %dma_wait3A_74 : memref<1x125xi32, #tpu.memory_space<vmem>> -> memref<125xi32, #tpu.memory_space<vmem>>
        %dma_wait3A_76 = arith.constant 0 : i32
        %dma_wait3A_77 = arith.constant 0 : i32
        %dma_wait3A_78 = tpu.memref_slice %arg10[%dma_wait3A_76, %dma_wait3A_77] : memref<10000x128xf32, #tpu.memory_space<vmem_shared>> -> memref<10000x128xf32, #tpu.memory_space<vmem_shared>>
        tpu.wait_indirect_dma semaphore(%run_scoped3A_66 : memref<!tpu.dma_semaphore, #tpu.memory_space<semaphore_mem>>) src(%arg9 : memref<125x128xf32, #tpu.memory_space<vmem>>) dst(%dma_wait3A_78 : memref<10000x128xf32, #tpu.memory_space<vmem_shared>>)
        tpu.yield
      }) : () -> ()
    }
    %scan3A_13 = arith.constant 2 : i32
    %barrier3A = arith.constant 0 : index
    tpu.barrier barrier_id(%barrier3A)
    %lt3A_14 = arith.constant 15 : i32
    %lt3A_15 = arith.cmpi slt, %arg1, %lt3A_14 : i32
    %convert_element_type3A_16 = arith.extui %lt3A_15 : i1 to i32
    %cond3A_17 = arith.constant 0 : i32
    %cond3A_18 = arith.cmpi ne, %convert_element_type3A_16, %cond3A_17 : i32
    scf.if %cond3A_18 {
      "tpu.region"() ({
        %run_scoped3A = tpu.sem_alloc : memref<!tpu.dma_semaphore, #tpu.memory_space<semaphore_mem>>
        %dma_start3A = arith.constant 0 : i32
        %dma_start3A_24 = tpu.memref_slice %arg5[%arg0, %multiple_of3A, %dma_start3A] : memref<2x10000x128xf32, #tpu.memory_space<hbm>> -> memref<1x632x128xf32, #tpu.memory_space<hbm>>
        %dma_start3A_25 = tpu.memref_squeeze %dma_start3A_24 : memref<1x632x128xf32, #tpu.memory_space<hbm>> -> memref<632x128xf32, #tpu.memory_space<hbm>>
        %dma_start3A_26 = arith.constant 0 : i32
        %dma_start3A_27 = tpu.memref_slice %arg10[%multiple_of3A, %dma_start3A_26] : memref<10000x128xf32, #tpu.memory_space<vmem_shared>> -> memref<632x128xf32, #tpu.memory_space<vmem_shared>>
        tpu.enqueue_dma source(%dma_start3A_27 : memref<632x128xf32, #tpu.memory_space<vmem_shared>>) target(%dma_start3A_25 : memref<632x128xf32, #tpu.memory_space<hbm>>) target_semaphore(%run_scoped3A : memref<!tpu.dma_semaphore, #tpu.memory_space<semaphore_mem>>)
        %dma_wait3A = arith.constant 0 : i32
        %dma_wait3A_28 = tpu.memref_slice %arg5[%arg0, %multiple_of3A, %dma_wait3A] : memref<2x10000x128xf32, #tpu.memory_space<hbm>> -> memref<1x632x128xf32, #tpu.memory_space<hbm>>
        %dma_wait3A_29 = tpu.memref_squeeze %dma_wait3A_28 : memref<1x632x128xf32, #tpu.memory_space<hbm>> -> memref<632x128xf32, #tpu.memory_space<hbm>>
        %dma_wait3A_30 = arith.constant 0 : i32
        %dma_wait3A_31 = tpu.memref_slice %arg10[%multiple_of3A, %dma_wait3A_30] : memref<10000x128xf32, #tpu.memory_space<vmem_shared>> -> memref<632x128xf32, #tpu.memory_space<vmem_shared>>
        tpu.wait_dma2 semaphore(%run_scoped3A : memref<!tpu.dma_semaphore, #tpu.memory_space<semaphore_mem>>) src(%dma_wait3A_31 : memref<632x128xf32, #tpu.memory_space<vmem_shared>>) dst(%dma_wait3A_29 : memref<632x128xf32, #tpu.memory_space<hbm>>)
        tpu.yield
      }) : () -> ()
    } else {
    }
    %eq3A_19 = arith.constant 15 : i32
    %eq3A_20 = arith.cmpi eq, %arg1, %eq3A_19 : i32
    %convert_element_type3A_21 = arith.extui %eq3A_20 : i1 to i32
    %cond3A_22 = arith.constant 0 : i32
    %cond3A_23 = arith.cmpi ne, %convert_element_type3A_21, %cond3A_22 : i32
    scf.if %cond3A_23 {
      "tpu.region"() ({
        %run_scoped3A = tpu.sem_alloc : memref<!tpu.dma_semaphore, #tpu.memory_space<semaphore_mem>>
        %dma_start3A = arith.constant 0 : i32
        %dma_start3A_24 = tpu.memref_slice %arg5[%arg0, %multiple_of3A, %dma_start3A] : memref<2x10000x128xf32, #tpu.memory_space<hbm>> -> memref<1x520x128xf32, #tpu.memory_space<hbm>>
        %dma_start3A_25 = tpu.memref_squeeze %dma_start3A_24 : memref<1x520x128xf32, #tpu.memory_space<hbm>> -> memref<520x128xf32, #tpu.memory_space<hbm>>
        %dma_start3A_26 = arith.constant 0 : i32
        %dma_start3A_27 = tpu.memref_slice %arg10[%multiple_of3A, %dma_start3A_26] : memref<10000x128xf32, #tpu.memory_space<vmem_shared>> -> memref<520x128xf32, #tpu.memory_space<vmem_shared>>
        tpu.enqueue_dma source(%dma_start3A_27 : memref<520x128xf32, #tpu.memory_space<vmem_shared>>) target(%dma_start3A_25 : memref<520x128xf32, #tpu.memory_space<hbm>>) target_semaphore(%run_scoped3A : memref<!tpu.dma_semaphore, #tpu.memory_space<semaphore_mem>>)
        %dma_wait3A = arith.constant 0 : i32
        %dma_wait3A_28 = tpu.memref_slice %arg5[%arg0, %multiple_of3A, %dma_wait3A] : memref<2x10000x128xf32, #tpu.memory_space<hbm>> -> memref<1x520x128xf32, #tpu.memory_space<hbm>>
        %dma_wait3A_29 = tpu.memref_squeeze %dma_wait3A_28 : memref<1x520x128xf32, #tpu.memory_space<hbm>> -> memref<520x128xf32, #tpu.memory_space<hbm>>
        %dma_wait3A_30 = arith.constant 0 : i32
        %dma_wait3A_31 = tpu.memref_slice %arg10[%multiple_of3A, %dma_wait3A_30] : memref<10000x128xf32, #tpu.memory_space<vmem_shared>> -> memref<520x128xf32, #tpu.memory_space<vmem_shared>>
        tpu.wait_dma2 semaphore(%run_scoped3A : memref<!tpu.dma_semaphore, #tpu.memory_space<semaphore_mem>>) src(%dma_wait3A_31 : memref<520x128xf32, #tpu.memory_space<vmem_shared>>) dst(%dma_wait3A_29 : memref<520x128xf32, #tpu.memory_space<hbm>>)
        tpu.yield
      }) : () -> ()
    } else {
    }
    return
  }
}

#map = affine_map<(d0, d1) -> (0, 0)>
#map1 = affine_map<(d0, d1) -> (0, 0, 0)>
module attributes {stable_mosaic.version = 14 : i64} {
  func.func @_sc_agg_body(%arg0: i32, %arg1: i32, %arg2: memref<10000x128xf32, #tpu.memory_space<hbm>>, %arg3: memref<32x80x125xi32, #tpu.memory_space<hbm>>, %arg4: memref<32x80x125xi32, #tpu.memory_space<hbm>>, %arg5: memref<2x10000x128xf32, #tpu.memory_space<hbm>>, %arg6: memref<40x125xi32, #tpu.memory_space<vmem>>, %arg7: memref<40x125xi32, #tpu.memory_space<vmem>>, %arg8: memref<125x128xf32, #tpu.memory_space<vmem>>, %arg9: memref<125x128xf32, #tpu.memory_space<vmem>>, %arg10: memref<10000x128xf32, #tpu.memory_space<vmem_shared>>, %arg11: memref<!tpu.dma_semaphore, #tpu.memory_space<semaphore_mem>>, %arg12: memref<!tpu.dma_semaphore, #tpu.memory_space<semaphore_mem>>, %arg13: memref<!tpu.dma_semaphore, #tpu.memory_space<semaphore_mem>>) attributes {dimension_semantics = [#tpu.dimension_semantics<core_parallel>, #tpu.dimension_semantics<subcore_parallel>], iteration_bounds = array<i64: 2, 16>, scalar_prefetch = 0 : i64, scratch_operands = 8 : i64, tpu.core_type = #tpu.core_type<sc_vector_subcore>, window_params = [{transform_indices = #map}, {transform_indices = #map1}, {transform_indices = #map1}, {transform_indices = #map1}]} {
    %mul3A = arith.constant 2 : i32
    %mul3A_0 = arith.muli %arg1, %mul3A : i32
    %add3A = arith.addi %mul3A_0, %arg0 : i32
    %mul3A_1 = arith.constant 632 : i32
    %mul3A_2 = arith.muli %arg1, %mul3A_1 : i32
    %multiple_of3A = tpu.assume_multiple %mul3A_2, 8 : i32
    %lt3A = arith.constant 15 : i32
    %lt3A_3 = arith.cmpi slt, %arg1, %lt3A : i32
    %convert_element_type3A = arith.extui %lt3A_3 : i1 to i32
    %cond3A = arith.constant 0 : i32
    %cond3A_4 = arith.cmpi ne, %convert_element_type3A, %cond3A : i32
    scf.if %cond3A_4 {
      %dma_start3A = arith.constant 0 : i32
      %dma_start3A_24 = tpu.memref_slice %arg10[%multiple_of3A, %dma_start3A] : memref<10000x128xf32, #tpu.memory_space<vmem_shared>> -> memref<632x128xf32, #tpu.memory_space<vmem_shared>>
      %dma_start3A_25 = arith.constant 0 : i32
      %dma_start3A_26 = tpu.memref_slice %arg2[%multiple_of3A, %dma_start3A_25] : memref<10000x128xf32, #tpu.memory_space<hbm>> -> memref<632x128xf32, #tpu.memory_space<hbm>>
      tpu.enqueue_dma source(%dma_start3A_26 : memref<632x128xf32, #tpu.memory_space<hbm>>) target(%dma_start3A_24 : memref<632x128xf32, #tpu.memory_space<vmem_shared>>) target_semaphore(%arg13 : memref<!tpu.dma_semaphore, #tpu.memory_space<semaphore_mem>>)
    } else {
    }
    %eq3A = arith.constant 15 : i32
    %eq3A_5 = arith.cmpi eq, %arg1, %eq3A : i32
    %convert_element_type3A_6 = arith.extui %eq3A_5 : i1 to i32
    %cond3A_7 = arith.constant 0 : i32
    %cond3A_8 = arith.cmpi ne, %convert_element_type3A_6, %cond3A_7 : i32
    scf.if %cond3A_8 {
      %dma_start3A = arith.constant 0 : i32
      %dma_start3A_24 = tpu.memref_slice %arg10[%multiple_of3A, %dma_start3A] : memref<10000x128xf32, #tpu.memory_space<vmem_shared>> -> memref<520x128xf32, #tpu.memory_space<vmem_shared>>
      %dma_start3A_25 = arith.constant 0 : i32
      %dma_start3A_26 = tpu.memref_slice %arg2[%multiple_of3A, %dma_start3A_25] : memref<10000x128xf32, #tpu.memory_space<hbm>> -> memref<520x128xf32, #tpu.memory_space<hbm>>
      tpu.enqueue_dma source(%dma_start3A_26 : memref<520x128xf32, #tpu.memory_space<hbm>>) target(%dma_start3A_24 : memref<520x128xf32, #tpu.memory_space<vmem_shared>>) target_semaphore(%arg13 : memref<!tpu.dma_semaphore, #tpu.memory_space<semaphore_mem>>)
    } else {
    }
    %scan3A = arith.constant 0 : i32
    %scan3A_9 = arith.constant 0 : i32
    %scan3A_10 = arith.constant 2 : i32
    %scan3A_11 = arith.addi %scan3A_9, %scan3A_10 : i32
    %scan3A_12 = arith.constant 1 : i32
    scf.for %scan3A_24 = %scan3A_9 to %scan3A_11 step %scan3A_12  : i32 {
      %mul3A_25 = arith.constant 40 : i32
      %mul3A_26 = arith.muli %scan3A_24, %mul3A_25 : i32
      %multiple_of3A_27 = tpu.assume_multiple %mul3A_26, 8 : i32
      "tpu.region"() ({
        %run_scoped3A_66 = tpu.sem_alloc : memref<!tpu.dma_semaphore, #tpu.memory_space<semaphore_mem>>
        %dma_start3A_67 = arith.constant 0 : i32
        %dma_start3A_68 = tpu.memref_slice %arg3[%add3A, %multiple_of3A_27, %dma_start3A_67] : memref<32x80x125xi32, #tpu.memory_space<hbm>> -> memref<1x40x125xi32, #tpu.memory_space<hbm>>
        %dma_start3A_69 = tpu.memref_squeeze %dma_start3A_68 : memref<1x40x125xi32, #tpu.memory_space<hbm>> -> memref<40x125xi32, #tpu.memory_space<hbm>>
        %dma_start3A_70 = arith.constant 0 : i32
        %dma_start3A_71 = tpu.memref_slice %arg3[%add3A, %multiple_of3A_27, %dma_start3A_70] : memref<32x80x125xi32, #tpu.memory_space<hbm>> -> memref<1x40x125xi32, #tpu.memory_space<hbm>>
        %dma_start3A_72 = tpu.memref_squeeze %dma_start3A_71 : memref<1x40x125xi32, #tpu.memory_space<hbm>> -> memref<40x125xi32, #tpu.memory_space<hbm>>
        tpu.enqueue_dma source(%dma_start3A_72 : memref<40x125xi32, #tpu.memory_space<hbm>>) target(%arg6 : memref<40x125xi32, #tpu.memory_space<vmem>>) target_semaphore(%run_scoped3A_66 : memref<!tpu.dma_semaphore, #tpu.memory_space<semaphore_mem>>)
        %dma_wait3A_73 = arith.constant 0 : i32
        %dma_wait3A_74 = tpu.memref_slice %arg3[%add3A, %multiple_of3A_27, %dma_wait3A_73] : memref<32x80x125xi32, #tpu.memory_space<hbm>> -> memref<1x40x125xi32, #tpu.memory_space<hbm>>
        %dma_wait3A_75 = tpu.memref_squeeze %dma_wait3A_74 : memref<1x40x125xi32, #tpu.memory_space<hbm>> -> memref<40x125xi32, #tpu.memory_space<hbm>>
        %dma_wait3A_76 = arith.constant 0 : i32
        %dma_wait3A_77 = tpu.memref_slice %arg3[%add3A, %multiple_of3A_27, %dma_wait3A_76] : memref<32x80x125xi32, #tpu.memory_space<hbm>> -> memref<1x40x125xi32, #tpu.memory_space<hbm>>
        %dma_wait3A_78 = tpu.memref_squeeze %dma_wait3A_77 : memref<1x40x125xi32, #tpu.memory_space<hbm>> -> memref<40x125xi32, #tpu.memory_space<hbm>>
        tpu.wait_dma2 semaphore(%run_scoped3A_66 : memref<!tpu.dma_semaphore, #tpu.memory_space<semaphore_mem>>) src(%dma_wait3A_78 : memref<40x125xi32, #tpu.memory_space<hbm>>) dst(%arg6 : memref<40x125xi32, #tpu.memory_space<vmem>>)
        tpu.yield
      }) : () -> ()
      "tpu.region"() ({
        %run_scoped3A_66 = tpu.sem_alloc : memref<!tpu.dma_semaphore, #tpu.memory_space<semaphore_mem>>
        %dma_start3A_67 = arith.constant 0 : i32
        %dma_start3A_68 = tpu.memref_slice %arg4[%add3A, %multiple_of3A_27, %dma_start3A_67] : memref<32x80x125xi32, #tpu.memory_space<hbm>> -> memref<1x40x125xi32, #tpu.memory_space<hbm>>
        %dma_start3A_69 = tpu.memref_squeeze %dma_start3A_68 : memref<1x40x125xi32, #tpu.memory_space<hbm>> -> memref<40x125xi32, #tpu.memory_space<hbm>>
        %dma_start3A_70 = arith.constant 0 : i32
        %dma_start3A_71 = tpu.memref_slice %arg4[%add3A, %multiple_of3A_27, %dma_start3A_70] : memref<32x80x125xi32, #tpu.memory_space<hbm>> -> memref<1x40x125xi32, #tpu.memory_space<hbm>>
        %dma_start3A_72 = tpu.memref_squeeze %dma_start3A_71 : memref<1x40x125xi32, #tpu.memory_space<hbm>> -> memref<40x125xi32, #tpu.memory_space<hbm>>
        tpu.enqueue_dma source(%dma_start3A_72 : memref<40x125xi32, #tpu.memory_space<hbm>>) target(%arg7 : memref<40x125xi32, #tpu.memory_space<vmem>>) target_semaphore(%run_scoped3A_66 : memref<!tpu.dma_semaphore, #tpu.memory_space<semaphore_mem>>)
        %dma_wait3A_73 = arith.constant 0 : i32
        %dma_wait3A_74 = tpu.memref_slice %arg4[%add3A, %multiple_of3A_27, %dma_wait3A_73] : memref<32x80x125xi32, #tpu.memory_space<hbm>> -> memref<1x40x125xi32, #tpu.memory_space<hbm>>
        %dma_wait3A_75 = tpu.memref_squeeze %dma_wait3A_74 : memref<1x40x125xi32, #tpu.memory_space<hbm>> -> memref<40x125xi32, #tpu.memory_space<hbm>>
        %dma_wait3A_76 = arith.constant 0 : i32
        %dma_wait3A_77 = tpu.memref_slice %arg4[%add3A, %multiple_of3A_27, %dma_wait3A_76] : memref<32x80x125xi32, #tpu.memory_space<hbm>> -> memref<1x40x125xi32, #tpu.memory_space<hbm>>
        %dma_wait3A_78 = tpu.memref_squeeze %dma_wait3A_77 : memref<1x40x125xi32, #tpu.memory_space<hbm>> -> memref<40x125xi32, #tpu.memory_space<hbm>>
        tpu.wait_dma2 semaphore(%run_scoped3A_66 : memref<!tpu.dma_semaphore, #tpu.memory_space<semaphore_mem>>) src(%dma_wait3A_78 : memref<40x125xi32, #tpu.memory_space<hbm>>) dst(%arg7 : memref<40x125xi32, #tpu.memory_space<vmem>>)
        tpu.yield
      }) : () -> ()
      %dma_start3A = arith.constant 0 : i32
      %dma_start3A_28 = arith.constant 0 : i32
      %dma_start3A_29 = tpu.memref_slice %arg6[%dma_start3A, %dma_start3A_28] : memref<40x125xi32, #tpu.memory_space<vmem>> -> memref<1x125xi32, #tpu.memory_space<vmem>>
      %dma_start3A_30 = tpu.memref_squeeze %dma_start3A_29 : memref<1x125xi32, #tpu.memory_space<vmem>> -> memref<125xi32, #tpu.memory_space<vmem>>
      %dma_start3A_31 = arith.constant 0 : i32
      %dma_start3A_32 = arith.constant 0 : i32
      %dma_start3A_33 = tpu.memref_slice %arg2[%dma_start3A_31, %dma_start3A_32] : memref<10000x128xf32, #tpu.memory_space<hbm>> -> memref<10000x128xf32, #tpu.memory_space<hbm>>
      tpu.enqueue_indirect_dma source(%dma_start3A_33 : memref<10000x128xf32, #tpu.memory_space<hbm>>) target(%arg8 : memref<125x128xf32, #tpu.memory_space<vmem>>) offsets(%dma_start3A_30 : memref<125xi32, #tpu.memory_space<vmem>>) semaphore(%arg11 : memref<!tpu.dma_semaphore, #tpu.memory_space<semaphore_mem>>)
      %dma_start3A_34 = arith.constant 1 : i32
      %dma_start3A_35 = arith.constant 0 : i32
      %dma_start3A_36 = tpu.memref_slice %arg6[%dma_start3A_34, %dma_start3A_35] : memref<40x125xi32, #tpu.memory_space<vmem>> -> memref<1x125xi32, #tpu.memory_space<vmem>>
      %dma_start3A_37 = tpu.memref_squeeze %dma_start3A_36 : memref<1x125xi32, #tpu.memory_space<vmem>> -> memref<125xi32, #tpu.memory_space<vmem>>
      %dma_start3A_38 = arith.constant 0 : i32
      %dma_start3A_39 = arith.constant 0 : i32
      %dma_start3A_40 = tpu.memref_slice %arg2[%dma_start3A_38, %dma_start3A_39] : memref<10000x128xf32, #tpu.memory_space<hbm>> -> memref<10000x128xf32, #tpu.memory_space<hbm>>
      tpu.enqueue_indirect_dma source(%dma_start3A_40 : memref<10000x128xf32, #tpu.memory_space<hbm>>) target(%arg9 : memref<125x128xf32, #tpu.memory_space<vmem>>) offsets(%dma_start3A_37 : memref<125xi32, #tpu.memory_space<vmem>>) semaphore(%arg12 : memref<!tpu.dma_semaphore, #tpu.memory_space<semaphore_mem>>)
      %eq3A_41 = arith.constant 0 : i32
      %eq3A_42 = arith.cmpi eq, %scan3A_24, %eq3A_41 : i32
      %convert_element_type3A_43 = arith.extui %eq3A_42 : i1 to i32
      %cond3A_44 = arith.constant 0 : i32
      %cond3A_45 = arith.cmpi ne, %convert_element_type3A_43, %cond3A_44 : i32
      scf.if %cond3A_45 {
        %lt3A_66 = arith.constant 15 : i32
        %lt3A_67 = arith.cmpi slt, %arg1, %lt3A_66 : i32
        %convert_element_type3A_68 = arith.extui %lt3A_67 : i1 to i32
        %cond3A_69 = arith.constant 0 : i32
        %cond3A_70 = arith.cmpi ne, %convert_element_type3A_68, %cond3A_69 : i32
        scf.if %cond3A_70 {
          %dma_wait3A_77 = arith.constant 0 : i32
          %dma_wait3A_78 = tpu.memref_slice %arg10[%multiple_of3A, %dma_wait3A_77] : memref<10000x128xf32, #tpu.memory_space<vmem_shared>> -> memref<632x128xf32, #tpu.memory_space<vmem_shared>>
          %dma_wait3A_79 = arith.constant 0 : i32
          %dma_wait3A_80 = tpu.memref_slice %arg2[%multiple_of3A, %dma_wait3A_79] : memref<10000x128xf32, #tpu.memory_space<hbm>> -> memref<632x128xf32, #tpu.memory_space<hbm>>
          tpu.wait_dma2 semaphore(%arg13 : memref<!tpu.dma_semaphore, #tpu.memory_space<semaphore_mem>>) src(%dma_wait3A_80 : memref<632x128xf32, #tpu.memory_space<hbm>>) dst(%dma_wait3A_78 : memref<632x128xf32, #tpu.memory_space<vmem_shared>>)
        } else {
        }
        %eq3A_71 = arith.constant 15 : i32
        %eq3A_72 = arith.cmpi eq, %arg1, %eq3A_71 : i32
        %convert_element_type3A_73 = arith.extui %eq3A_72 : i1 to i32
        %cond3A_74 = arith.constant 0 : i32
        %cond3A_75 = arith.cmpi ne, %convert_element_type3A_73, %cond3A_74 : i32
        scf.if %cond3A_75 {
          %dma_wait3A_77 = arith.constant 0 : i32
          %dma_wait3A_78 = tpu.memref_slice %arg10[%multiple_of3A, %dma_wait3A_77] : memref<10000x128xf32, #tpu.memory_space<vmem_shared>> -> memref<520x128xf32, #tpu.memory_space<vmem_shared>>
          %dma_wait3A_79 = arith.constant 0 : i32
          %dma_wait3A_80 = tpu.memref_slice %arg2[%multiple_of3A, %dma_wait3A_79] : memref<10000x128xf32, #tpu.memory_space<hbm>> -> memref<520x128xf32, #tpu.memory_space<hbm>>
          tpu.wait_dma2 semaphore(%arg13 : memref<!tpu.dma_semaphore, #tpu.memory_space<semaphore_mem>>) src(%dma_wait3A_80 : memref<520x128xf32, #tpu.memory_space<hbm>>) dst(%dma_wait3A_78 : memref<520x128xf32, #tpu.memory_space<vmem_shared>>)
        } else {
        }
        %barrier3A_76 = arith.constant 0 : index
        tpu.barrier barrier_id(%barrier3A_76)
      } else {
      }
      %scan3A_46 = arith.constant 0 : i32
      %scan3A_47 = arith.constant 0 : i32
      %scan3A_48 = arith.constant 19 : i32
      %scan3A_49 = arith.addi %scan3A_47, %scan3A_48 : i32
      %scan3A_50 = arith.constant 1 : i32
      scf.for %scan3A_66 = %scan3A_47 to %scan3A_49 step %scan3A_50  : i32 {
        %mul3A_67 = arith.constant 2 : i32
        %mul3A_68 = arith.muli %scan3A_66, %mul3A_67 : i32
        %add3A_69 = arith.constant 0 : i32
        %add3A_70 = arith.addi %mul3A_68, %add3A_69 : i32
        %dma_wait3A_71 = arith.constant 0 : i32
        %dma_wait3A_72 = tpu.memref_slice %arg6[%add3A_70, %dma_wait3A_71] : memref<40x125xi32, #tpu.memory_space<vmem>> -> memref<1x125xi32, #tpu.memory_space<vmem>>
        %dma_wait3A_73 = tpu.memref_squeeze %dma_wait3A_72 : memref<1x125xi32, #tpu.memory_space<vmem>> -> memref<125xi32, #tpu.memory_space<vmem>>
        %dma_wait3A_74 = arith.constant 0 : i32
        %dma_wait3A_75 = arith.constant 0 : i32
        %dma_wait3A_76 = tpu.memref_slice %arg2[%dma_wait3A_74, %dma_wait3A_75] : memref<10000x128xf32, #tpu.memory_space<hbm>> -> memref<10000x128xf32, #tpu.memory_space<hbm>>
        tpu.wait_indirect_dma semaphore(%arg11 : memref<!tpu.dma_semaphore, #tpu.memory_space<semaphore_mem>>) src(%dma_wait3A_76 : memref<10000x128xf32, #tpu.memory_space<hbm>>) dst(%arg8 : memref<125x128xf32, #tpu.memory_space<vmem>>)
        "tpu.region"() ({
          %run_scoped3A_103 = tpu.sem_alloc : memref<!tpu.dma_semaphore, #tpu.memory_space<semaphore_mem>>
          %dma_start3A_104 = arith.constant 0 : i32
          %dma_start3A_105 = tpu.memref_slice %arg7[%add3A_70, %dma_start3A_104] : memref<40x125xi32, #tpu.memory_space<vmem>> -> memref<1x125xi32, #tpu.memory_space<vmem>>
          %dma_start3A_106 = tpu.memref_squeeze %dma_start3A_105 : memref<1x125xi32, #tpu.memory_space<vmem>> -> memref<125xi32, #tpu.memory_space<vmem>>
          %dma_start3A_107 = arith.constant 0 : i32
          %dma_start3A_108 = arith.constant 0 : i32
          %dma_start3A_109 = tpu.memref_slice %arg10[%dma_start3A_107, %dma_start3A_108] : memref<10000x128xf32, #tpu.memory_space<vmem_shared>> -> memref<10000x128xf32, #tpu.memory_space<vmem_shared>>
          tpu.enqueue_indirect_dma source(%arg8 : memref<125x128xf32, #tpu.memory_space<vmem>>) target(%dma_start3A_109 : memref<10000x128xf32, #tpu.memory_space<vmem_shared>>) offsets(%dma_start3A_106 : memref<125xi32, #tpu.memory_space<vmem>>) semaphore(%run_scoped3A_103 : memref<!tpu.dma_semaphore, #tpu.memory_space<semaphore_mem>>) {add = true}
          %dma_wait3A_110 = arith.constant 0 : i32
          %dma_wait3A_111 = tpu.memref_slice %arg7[%add3A_70, %dma_wait3A_110] : memref<40x125xi32, #tpu.memory_space<vmem>> -> memref<1x125xi32, #tpu.memory_space<vmem>>
          %dma_wait3A_112 = tpu.memref_squeeze %dma_wait3A_111 : memref<1x125xi32, #tpu.memory_space<vmem>> -> memref<125xi32, #tpu.memory_space<vmem>>
          %dma_wait3A_113 = arith.constant 0 : i32
          %dma_wait3A_114 = arith.constant 0 : i32
          %dma_wait3A_115 = tpu.memref_slice %arg10[%dma_wait3A_113, %dma_wait3A_114] : memref<10000x128xf32, #tpu.memory_space<vmem_shared>> -> memref<10000x128xf32, #tpu.memory_space<vmem_shared>>
          tpu.wait_indirect_dma semaphore(%run_scoped3A_103 : memref<!tpu.dma_semaphore, #tpu.memory_space<semaphore_mem>>) src(%arg8 : memref<125x128xf32, #tpu.memory_space<vmem>>) dst(%dma_wait3A_115 : memref<10000x128xf32, #tpu.memory_space<vmem_shared>>)
          tpu.yield
        }) : () -> ()
        %add3A_77 = arith.constant 2 : i32
        %add3A_78 = arith.addi %add3A_70, %add3A_77 : i32
        %dma_start3A_79 = arith.constant 0 : i32
        %dma_start3A_80 = tpu.memref_slice %arg6[%add3A_78, %dma_start3A_79] : memref<40x125xi32, #tpu.memory_space<vmem>> -> memref<1x125xi32, #tpu.memory_space<vmem>>
        %dma_start3A_81 = tpu.memref_squeeze %dma_start3A_80 : memref<1x125xi32, #tpu.memory_space<vmem>> -> memref<125xi32, #tpu.memory_space<vmem>>
        %dma_start3A_82 = arith.constant 0 : i32
        %dma_start3A_83 = arith.constant 0 : i32
        %dma_start3A_84 = tpu.memref_slice %arg2[%dma_start3A_82, %dma_start3A_83] : memref<10000x128xf32, #tpu.memory_space<hbm>> -> memref<10000x128xf32, #tpu.memory_space<hbm>>
        tpu.enqueue_indirect_dma source(%dma_start3A_84 : memref<10000x128xf32, #tpu.memory_space<hbm>>) target(%arg8 : memref<125x128xf32, #tpu.memory_space<vmem>>) offsets(%dma_start3A_81 : memref<125xi32, #tpu.memory_space<vmem>>) semaphore(%arg11 : memref<!tpu.dma_semaphore, #tpu.memory_space<semaphore_mem>>)
        %mul3A_85 = arith.constant 2 : i32
        %mul3A_86 = arith.muli %scan3A_66, %mul3A_85 : i32
        %add3A_87 = arith.constant 1 : i32
        %add3A_88 = arith.addi %mul3A_86, %add3A_87 : i32
        %dma_wait3A_89 = arith.constant 0 : i32
        %dma_wait3A_90 = tpu.memref_slice %arg6[%add3A_88, %dma_wait3A_89] : memref<40x125xi32, #tpu.memory_space<vmem>> -> memref<1x125xi32, #tpu.memory_space<vmem>>
        %dma_wait3A_91 = tpu.memref_squeeze %dma_wait3A_90 : memref<1x125xi32, #tpu.memory_space<vmem>> -> memref<125xi32, #tpu.memory_space<vmem>>
        %dma_wait3A_92 = arith.constant 0 : i32
        %dma_wait3A_93 = arith.constant 0 : i32
        %dma_wait3A_94 = tpu.memref_slice %arg2[%dma_wait3A_92, %dma_wait3A_93] : memref<10000x128xf32, #tpu.memory_space<hbm>> -> memref<10000x128xf32, #tpu.memory_space<hbm>>
        tpu.wait_indirect_dma semaphore(%arg12 : memref<!tpu.dma_semaphore, #tpu.memory_space<semaphore_mem>>) src(%dma_wait3A_94 : memref<10000x128xf32, #tpu.memory_space<hbm>>) dst(%arg9 : memref<125x128xf32, #tpu.memory_space<vmem>>)
        "tpu.region"() ({
          %run_scoped3A_103 = tpu.sem_alloc : memref<!tpu.dma_semaphore, #tpu.memory_space<semaphore_mem>>
          %dma_start3A_104 = arith.constant 0 : i32
          %dma_start3A_105 = tpu.memref_slice %arg7[%add3A_88, %dma_start3A_104] : memref<40x125xi32, #tpu.memory_space<vmem>> -> memref<1x125xi32, #tpu.memory_space<vmem>>
          %dma_start3A_106 = tpu.memref_squeeze %dma_start3A_105 : memref<1x125xi32, #tpu.memory_space<vmem>> -> memref<125xi32, #tpu.memory_space<vmem>>
          %dma_start3A_107 = arith.constant 0 : i32
          %dma_start3A_108 = arith.constant 0 : i32
          %dma_start3A_109 = tpu.memref_slice %arg10[%dma_start3A_107, %dma_start3A_108] : memref<10000x128xf32, #tpu.memory_space<vmem_shared>> -> memref<10000x128xf32, #tpu.memory_space<vmem_shared>>
          tpu.enqueue_indirect_dma source(%arg9 : memref<125x128xf32, #tpu.memory_space<vmem>>) target(%dma_start3A_109 : memref<10000x128xf32, #tpu.memory_space<vmem_shared>>) offsets(%dma_start3A_106 : memref<125xi32, #tpu.memory_space<vmem>>) semaphore(%run_scoped3A_103 : memref<!tpu.dma_semaphore, #tpu.memory_space<semaphore_mem>>) {add = true}
          %dma_wait3A_110 = arith.constant 0 : i32
          %dma_wait3A_111 = tpu.memref_slice %arg7[%add3A_88, %dma_wait3A_110] : memref<40x125xi32, #tpu.memory_space<vmem>> -> memref<1x125xi32, #tpu.memory_space<vmem>>
          %dma_wait3A_112 = tpu.memref_squeeze %dma_wait3A_111 : memref<1x125xi32, #tpu.memory_space<vmem>> -> memref<125xi32, #tpu.memory_space<vmem>>
          %dma_wait3A_113 = arith.constant 0 : i32
          %dma_wait3A_114 = arith.constant 0 : i32
          %dma_wait3A_115 = tpu.memref_slice %arg10[%dma_wait3A_113, %dma_wait3A_114] : memref<10000x128xf32, #tpu.memory_space<vmem_shared>> -> memref<10000x128xf32, #tpu.memory_space<vmem_shared>>
          tpu.wait_indirect_dma semaphore(%run_scoped3A_103 : memref<!tpu.dma_semaphore, #tpu.memory_space<semaphore_mem>>) src(%arg9 : memref<125x128xf32, #tpu.memory_space<vmem>>) dst(%dma_wait3A_115 : memref<10000x128xf32, #tpu.memory_space<vmem_shared>>)
          tpu.yield
        }) : () -> ()
        %add3A_95 = arith.constant 2 : i32
        %add3A_96 = arith.addi %add3A_88, %add3A_95 : i32
        %dma_start3A_97 = arith.constant 0 : i32
        %dma_start3A_98 = tpu.memref_slice %arg6[%add3A_96, %dma_start3A_97] : memref<40x125xi32, #tpu.memory_space<vmem>> -> memref<1x125xi32, #tpu.memory_space<vmem>>
        %dma_start3A_99 = tpu.memref_squeeze %dma_start3A_98 : memref<1x125xi32, #tpu.memory_space<vmem>> -> memref<125xi32, #tpu.memory_space<vmem>>
        %dma_start3A_100 = arith.constant 0 : i32
        %dma_start3A_101 = arith.constant 0 : i32
        %dma_start3A_102 = tpu.memref_slice %arg2[%dma_start3A_100, %dma_start3A_101] : memref<10000x128xf32, #tpu.memory_space<hbm>> -> memref<10000x128xf32, #tpu.memory_space<hbm>>
        tpu.enqueue_indirect_dma source(%dma_start3A_102 : memref<10000x128xf32, #tpu.memory_space<hbm>>) target(%arg9 : memref<125x128xf32, #tpu.memory_space<vmem>>) offsets(%dma_start3A_99 : memref<125xi32, #tpu.memory_space<vmem>>) semaphore(%arg12 : memref<!tpu.dma_semaphore, #tpu.memory_space<semaphore_mem>>)
      }
      %scan3A_51 = arith.constant 19 : i32
      %dma_wait3A = arith.constant 38 : i32
      %dma_wait3A_52 = arith.constant 0 : i32
      %dma_wait3A_53 = tpu.memref_slice %arg6[%dma_wait3A, %dma_wait3A_52] : memref<40x125xi32, #tpu.memory_space<vmem>> -> memref<1x125xi32, #tpu.memory_space<vmem>>
      %dma_wait3A_54 = tpu.memref_squeeze %dma_wait3A_53 : memref<1x125xi32, #tpu.memory_space<vmem>> -> memref<125xi32, #tpu.memory_space<vmem>>
      %dma_wait3A_55 = arith.constant 0 : i32
      %dma_wait3A_56 = arith.constant 0 : i32
      %dma_wait3A_57 = tpu.memref_slice %arg2[%dma_wait3A_55, %dma_wait3A_56] : memref<10000x128xf32, #tpu.memory_space<hbm>> -> memref<10000x128xf32, #tpu.memory_space<hbm>>
      tpu.wait_indirect_dma semaphore(%arg11 : memref<!tpu.dma_semaphore, #tpu.memory_space<semaphore_mem>>) src(%dma_wait3A_57 : memref<10000x128xf32, #tpu.memory_space<hbm>>) dst(%arg8 : memref<125x128xf32, #tpu.memory_space<vmem>>)
      %run_scoped3A = arith.constant 38 : i32
      "tpu.region"() ({
        %run_scoped3A_66 = tpu.sem_alloc : memref<!tpu.dma_semaphore, #tpu.memory_space<semaphore_mem>>
        %dma_start3A_67 = arith.constant 0 : i32
        %dma_start3A_68 = tpu.memref_slice %arg7[%run_scoped3A, %dma_start3A_67] : memref<40x125xi32, #tpu.memory_space<vmem>> -> memref<1x125xi32, #tpu.memory_space<vmem>>
        %dma_start3A_69 = tpu.memref_squeeze %dma_start3A_68 : memref<1x125xi32, #tpu.memory_space<vmem>> -> memref<125xi32, #tpu.memory_space<vmem>>
        %dma_start3A_70 = arith.constant 0 : i32
        %dma_start3A_71 = arith.constant 0 : i32
        %dma_start3A_72 = tpu.memref_slice %arg10[%dma_start3A_70, %dma_start3A_71] : memref<10000x128xf32, #tpu.memory_space<vmem_shared>> -> memref<10000x128xf32, #tpu.memory_space<vmem_shared>>
        tpu.enqueue_indirect_dma source(%arg8 : memref<125x128xf32, #tpu.memory_space<vmem>>) target(%dma_start3A_72 : memref<10000x128xf32, #tpu.memory_space<vmem_shared>>) offsets(%dma_start3A_69 : memref<125xi32, #tpu.memory_space<vmem>>) semaphore(%run_scoped3A_66 : memref<!tpu.dma_semaphore, #tpu.memory_space<semaphore_mem>>) {add = true}
        %dma_wait3A_73 = arith.constant 0 : i32
        %dma_wait3A_74 = tpu.memref_slice %arg7[%run_scoped3A, %dma_wait3A_73] : memref<40x125xi32, #tpu.memory_space<vmem>> -> memref<1x125xi32, #tpu.memory_space<vmem>>
        %dma_wait3A_75 = tpu.memref_squeeze %dma_wait3A_74 : memref<1x125xi32, #tpu.memory_space<vmem>> -> memref<125xi32, #tpu.memory_space<vmem>>
        %dma_wait3A_76 = arith.constant 0 : i32
        %dma_wait3A_77 = arith.constant 0 : i32
        %dma_wait3A_78 = tpu.memref_slice %arg10[%dma_wait3A_76, %dma_wait3A_77] : memref<10000x128xf32, #tpu.memory_space<vmem_shared>> -> memref<10000x128xf32, #tpu.memory_space<vmem_shared>>
        tpu.wait_indirect_dma semaphore(%run_scoped3A_66 : memref<!tpu.dma_semaphore, #tpu.memory_space<semaphore_mem>>) src(%arg8 : memref<125x128xf32, #tpu.memory_space<vmem>>) dst(%dma_wait3A_78 : memref<10000x128xf32, #tpu.memory_space<vmem_shared>>)
        tpu.yield
      }) : () -> ()
      %dma_wait3A_58 = arith.constant 39 : i32
      %dma_wait3A_59 = arith.constant 0 : i32
      %dma_wait3A_60 = tpu.memref_slice %arg6[%dma_wait3A_58, %dma_wait3A_59] : memref<40x125xi32, #tpu.memory_space<vmem>> -> memref<1x125xi32, #tpu.memory_space<vmem>>
      %dma_wait3A_61 = tpu.memref_squeeze %dma_wait3A_60 : memref<1x125xi32, #tpu.memory_space<vmem>> -> memref<125xi32, #tpu.memory_space<vmem>>
      %dma_wait3A_62 = arith.constant 0 : i32
      %dma_wait3A_63 = arith.constant 0 : i32
      %dma_wait3A_64 = tpu.memref_slice %arg2[%dma_wait3A_62, %dma_wait3A_63] : memref<10000x128xf32, #tpu.memory_space<hbm>> -> memref<10000x128xf32, #tpu.memory_space<hbm>>
      tpu.wait_indirect_dma semaphore(%arg12 : memref<!tpu.dma_semaphore, #tpu.memory_space<semaphore_mem>>) src(%dma_wait3A_64 : memref<10000x128xf32, #tpu.memory_space<hbm>>) dst(%arg9 : memref<125x128xf32, #tpu.memory_space<vmem>>)
      %run_scoped3A_65 = arith.constant 39 : i32
      "tpu.region"() ({
        %run_scoped3A_66 = tpu.sem_alloc : memref<!tpu.dma_semaphore, #tpu.memory_space<semaphore_mem>>
        %dma_start3A_67 = arith.constant 0 : i32
        %dma_start3A_68 = tpu.memref_slice %arg7[%run_scoped3A_65, %dma_start3A_67] : memref<40x125xi32, #tpu.memory_space<vmem>> -> memref<1x125xi32, #tpu.memory_space<vmem>>
        %dma_start3A_69 = tpu.memref_squeeze %dma_start3A_68 : memref<1x125xi32, #tpu.memory_space<vmem>> -> memref<125xi32, #tpu.memory_space<vmem>>
        %dma_start3A_70 = arith.constant 0 : i32
        %dma_start3A_71 = arith.constant 0 : i32
        %dma_start3A_72 = tpu.memref_slice %arg10[%dma_start3A_70, %dma_start3A_71] : memref<10000x128xf32, #tpu.memory_space<vmem_shared>> -> memref<10000x128xf32, #tpu.memory_space<vmem_shared>>
        tpu.enqueue_indirect_dma source(%arg9 : memref<125x128xf32, #tpu.memory_space<vmem>>) target(%dma_start3A_72 : memref<10000x128xf32, #tpu.memory_space<vmem_shared>>) offsets(%dma_start3A_69 : memref<125xi32, #tpu.memory_space<vmem>>) semaphore(%run_scoped3A_66 : memref<!tpu.dma_semaphore, #tpu.memory_space<semaphore_mem>>) {add = true}
        %dma_wait3A_73 = arith.constant 0 : i32
        %dma_wait3A_74 = tpu.memref_slice %arg7[%run_scoped3A_65, %dma_wait3A_73] : memref<40x125xi32, #tpu.memory_space<vmem>> -> memref<1x125xi32, #tpu.memory_space<vmem>>
        %dma_wait3A_75 = tpu.memref_squeeze %dma_wait3A_74 : memref<1x125xi32, #tpu.memory_space<vmem>> -> memref<125xi32, #tpu.memory_space<vmem>>
        %dma_wait3A_76 = arith.constant 0 : i32
        %dma_wait3A_77 = arith.constant 0 : i32
        %dma_wait3A_78 = tpu.memref_slice %arg10[%dma_wait3A_76, %dma_wait3A_77] : memref<10000x128xf32, #tpu.memory_space<vmem_shared>> -> memref<10000x128xf32, #tpu.memory_space<vmem_shared>>
        tpu.wait_indirect_dma semaphore(%run_scoped3A_66 : memref<!tpu.dma_semaphore, #tpu.memory_space<semaphore_mem>>) src(%arg9 : memref<125x128xf32, #tpu.memory_space<vmem>>) dst(%dma_wait3A_78 : memref<10000x128xf32, #tpu.memory_space<vmem_shared>>)
        tpu.yield
      }) : () -> ()
    }
    %scan3A_13 = arith.constant 2 : i32
    %barrier3A = arith.constant 0 : index
    tpu.barrier barrier_id(%barrier3A)
    %lt3A_14 = arith.constant 15 : i32
    %lt3A_15 = arith.cmpi slt, %arg1, %lt3A_14 : i32
    %convert_element_type3A_16 = arith.extui %lt3A_15 : i1 to i32
    %cond3A_17 = arith.constant 0 : i32
    %cond3A_18 = arith.cmpi ne, %convert_element_type3A_16, %cond3A_17 : i32
    scf.if %cond3A_18 {
      "tpu.region"() ({
        %run_scoped3A = tpu.sem_alloc : memref<!tpu.dma_semaphore, #tpu.memory_space<semaphore_mem>>
        %dma_start3A = arith.constant 0 : i32
        %dma_start3A_24 = tpu.memref_slice %arg5[%arg0, %multiple_of3A, %dma_start3A] : memref<2x10000x128xf32, #tpu.memory_space<hbm>> -> memref<1x632x128xf32, #tpu.memory_space<hbm>>
        %dma_start3A_25 = tpu.memref_squeeze %dma_start3A_24 : memref<1x632x128xf32, #tpu.memory_space<hbm>> -> memref<632x128xf32, #tpu.memory_space<hbm>>
        %dma_start3A_26 = arith.constant 0 : i32
        %dma_start3A_27 = tpu.memref_slice %arg10[%multiple_of3A, %dma_start3A_26] : memref<10000x128xf32, #tpu.memory_space<vmem_shared>> -> memref<632x128xf32, #tpu.memory_space<vmem_shared>>
        tpu.enqueue_dma source(%dma_start3A_27 : memref<632x128xf32, #tpu.memory_space<vmem_shared>>) target(%dma_start3A_25 : memref<632x128xf32, #tpu.memory_space<hbm>>) target_semaphore(%run_scoped3A : memref<!tpu.dma_semaphore, #tpu.memory_space<semaphore_mem>>)
        %dma_wait3A = arith.constant 0 : i32
        %dma_wait3A_28 = tpu.memref_slice %arg5[%arg0, %multiple_of3A, %dma_wait3A] : memref<2x10000x128xf32, #tpu.memory_space<hbm>> -> memref<1x632x128xf32, #tpu.memory_space<hbm>>
        %dma_wait3A_29 = tpu.memref_squeeze %dma_wait3A_28 : memref<1x632x128xf32, #tpu.memory_space<hbm>> -> memref<632x128xf32, #tpu.memory_space<hbm>>
        %dma_wait3A_30 = arith.constant 0 : i32
        %dma_wait3A_31 = tpu.memref_slice %arg10[%multiple_of3A, %dma_wait3A_30] : memref<10000x128xf32, #tpu.memory_space<vmem_shared>> -> memref<632x128xf32, #tpu.memory_space<vmem_shared>>
        tpu.wait_dma2 semaphore(%run_scoped3A : memref<!tpu.dma_semaphore, #tpu.memory_space<semaphore_mem>>) src(%dma_wait3A_31 : memref<632x128xf32, #tpu.memory_space<vmem_shared>>) dst(%dma_wait3A_29 : memref<632x128xf32, #tpu.memory_space<hbm>>)
        tpu.yield
      }) : () -> ()
    } else {
    }
    %eq3A_19 = arith.constant 15 : i32
    %eq3A_20 = arith.cmpi eq, %arg1, %eq3A_19 : i32
    %convert_element_type3A_21 = arith.extui %eq3A_20 : i1 to i32
    %cond3A_22 = arith.constant 0 : i32
    %cond3A_23 = arith.cmpi ne, %convert_element_type3A_21, %cond3A_22 : i32
    scf.if %cond3A_23 {
      "tpu.region"() ({
        %run_scoped3A = tpu.sem_alloc : memref<!tpu.dma_semaphore, #tpu.memory_space<semaphore_mem>>
        %dma_start3A = arith.constant 0 : i32
        %dma_start3A_24 = tpu.memref_slice %arg5[%arg0, %multiple_of3A, %dma_start3A] : memref<2x10000x128xf32, #tpu.memory_space<hbm>> -> memref<1x520x128xf32, #tpu.memory_space<hbm>>
        %dma_start3A_25 = tpu.memref_squeeze %dma_start3A_24 : memref<1x520x128xf32, #tpu.memory_space<hbm>> -> memref<520x128xf32, #tpu.memory_space<hbm>>
        %dma_start3A_26 = arith.constant 0 : i32
        %dma_start3A_27 = tpu.memref_slice %arg10[%multiple_of3A, %dma_start3A_26] : memref<10000x128xf32, #tpu.memory_space<vmem_shared>> -> memref<520x128xf32, #tpu.memory_space<vmem_shared>>
        tpu.enqueue_dma source(%dma_start3A_27 : memref<520x128xf32, #tpu.memory_space<vmem_shared>>) target(%dma_start3A_25 : memref<520x128xf32, #tpu.memory_space<hbm>>) target_semaphore(%run_scoped3A : memref<!tpu.dma_semaphore, #tpu.memory_space<semaphore_mem>>)
        %dma_wait3A = arith.constant 0 : i32
        %dma_wait3A_28 = tpu.memref_slice %arg5[%arg0, %multiple_of3A, %dma_wait3A] : memref<2x10000x128xf32, #tpu.memory_space<hbm>> -> memref<1x520x128xf32, #tpu.memory_space<hbm>>
        %dma_wait3A_29 = tpu.memref_squeeze %dma_wait3A_28 : memref<1x520x128xf32, #tpu.memory_space<hbm>> -> memref<520x128xf32, #tpu.memory_space<hbm>>
        %dma_wait3A_30 = arith.constant 0 : i32
        %dma_wait3A_31 = tpu.memref_slice %arg10[%multiple_of3A, %dma_wait3A_30] : memref<10000x128xf32, #tpu.memory_space<vmem_shared>> -> memref<520x128xf32, #tpu.memory_space<vmem_shared>>
        tpu.wait_dma2 semaphore(%run_scoped3A : memref<!tpu.dma_semaphore, #tpu.memory_space<semaphore_mem>>) src(%dma_wait3A_31 : memref<520x128xf32, #tpu.memory_space<vmem_shared>>) dst(%dma_wait3A_29 : memref<520x128xf32, #tpu.memory_space<hbm>>)
        tpu.yield
      }) : () -> ()
    } else {
    }
    return
  }
}

module attributes {stable_mosaic.version = 14 : i64} {
  func.func @_tc_body(%arg0: memref<2x10000x128xf32, #tpu.memory_space<vmem>>, %arg1: memref<10000x128xf32, #tpu.memory_space<vmem>>, %arg2: memref<128x128xf32, #tpu.memory_space<vmem>>, %arg3: memref<1x128xf32, #tpu.memory_space<vmem>>, %arg4: memref<128x128xf32, #tpu.memory_space<vmem>>, %arg5: memref<1x128xf32, #tpu.memory_space<vmem>>, %arg6: memref<1x128xf32, #tpu.memory_space<vmem>>, %arg7: memref<1x128xf32, #tpu.memory_space<vmem>>, %arg8: memref<10000x64xf32, #tpu.memory_space<vmem>>, %arg9: memref<10000x128xf32, #tpu.memory_space<vmem>>, %arg10: memref<64x128xf32, #tpu.memory_space<vmem>>) attributes {dimension_semantics = [], scalar_prefetch = 0 : i64, scratch_operands = 0 : i64, tpu.core_type = #tpu.core_type<tc>} {
    %get3A = arith.constant 0 : index
    %get3A_0 = arith.constant 0 : index
    %get3A_1 = arith.constant 0 : index
    %get3A_2 = vector.load %arg0[%get3A, %get3A_0, %get3A_1] : memref<2x10000x128xf32, #tpu.memory_space<vmem>>, vector<1x10000x128xf32>
    %get3A_3 = vector.shape_cast %get3A_2 : vector<1x10000x128xf32> to vector<10000x128xf32>
    %get3A_4 = arith.constant 1 : index
    %get3A_5 = arith.constant 0 : index
    %get3A_6 = arith.constant 0 : index
    %get3A_7 = vector.load %arg0[%get3A_4, %get3A_5, %get3A_6] : memref<2x10000x128xf32, #tpu.memory_space<vmem>>, vector<1x10000x128xf32>
    %get3A_8 = vector.shape_cast %get3A_7 : vector<1x10000x128xf32> to vector<10000x128xf32>
    %add3A = arith.addf %get3A_3, %get3A_8 : vector<10000x128xf32>
    %get3A_9 = arith.constant 0 : index
    %get3A_10 = arith.constant 0 : index
    %get3A_11 = vector.load %arg1[%get3A_9, %get3A_10] : memref<10000x128xf32, #tpu.memory_space<vmem>>, vector<10000x128xf32>
    %sub3A = arith.subf %add3A, %get3A_11 : vector<10000x128xf32>
    %get3A_12 = arith.constant 0 : index
    %get3A_13 = arith.constant 0 : index
    %get3A_14 = vector.load %arg2[%get3A_12, %get3A_13] : memref<128x128xf32, #tpu.memory_space<vmem>>, vector<128x128xf32>
    %dot_general3A = arith.constant dense<0.000000e+00> : vector<10000x128xf32>
    %dot_general3A_15 = tpu.matmul %sub3A, %get3A_14, %dot_general3A {dimension_numbers = #tpu.dot_dimension_numbers<[1], [0], [0], [1], [0, 0, 1, 1], [], []>, transpose_lhs_hint = false} : vector<10000x128xf32>, vector<128x128xf32>, vector<10000x128xf32> -> vector<10000x128xf32>
    %get3A_16 = arith.constant 0 : index
    %get3A_17 = arith.constant 0 : index
    %get3A_18 = vector.load %arg3[%get3A_16, %get3A_17] : memref<1x128xf32, #tpu.memory_space<vmem>>, vector<1x128xf32>
    %add3A_19 = vector.broadcast %get3A_18 : vector<1x128xf32> to vector<10000x128xf32>
    %add3A_20 = arith.addf %dot_general3A_15, %add3A_19 : vector<10000x128xf32>
    %max3A = arith.constant 0.000000e+00 : f32
    %max3A_21 = vector.broadcast %max3A : f32 to vector<10000x128xf32>
    %max3A_22 = arith.maximumf %add3A_20, %max3A_21 : vector<10000x128xf32>
    %get3A_23 = arith.constant 0 : index
    %get3A_24 = arith.constant 0 : index
    %get3A_25 = vector.load %arg4[%get3A_23, %get3A_24] : memref<128x128xf32, #tpu.memory_space<vmem>>, vector<128x128xf32>
    %dot_general3A_26 = arith.constant dense<0.000000e+00> : vector<10000x128xf32>
    %dot_general3A_27 = tpu.matmul %max3A_22, %get3A_25, %dot_general3A_26 {dimension_numbers = #tpu.dot_dimension_numbers<[1], [0], [0], [1], [0, 0, 1, 1], [], []>, transpose_lhs_hint = false} : vector<10000x128xf32>, vector<128x128xf32>, vector<10000x128xf32> -> vector<10000x128xf32>
    %get3A_28 = arith.constant 0 : index
    %get3A_29 = arith.constant 0 : index
    %get3A_30 = vector.load %arg5[%get3A_28, %get3A_29] : memref<1x128xf32, #tpu.memory_space<vmem>>, vector<1x128xf32>
    %add3A_31 = vector.broadcast %get3A_30 : vector<1x128xf32> to vector<10000x128xf32>
    %add3A_32 = arith.addf %dot_general3A_27, %add3A_31 : vector<10000x128xf32>
    %max3A_33 = arith.constant 0.000000e+00 : f32
    %max3A_34 = vector.broadcast %max3A_33 : f32 to vector<10000x128xf32>
    %max3A_35 = arith.maximumf %add3A_32, %max3A_34 : vector<10000x128xf32>
    %reduce_sum3A = arith.constant dense<0.000000e+00> : vector<128xf32>
    %reduce_sum3A_36 = vector.multi_reduction <add>, %max3A_35, %reduce_sum3A [0] : vector<10000x128xf32> to vector<128xf32>
    %broadcast_in_dim3A = vector.shape_cast %reduce_sum3A_36 : vector<128xf32> to vector<1x128xf32>
    %mul3A = arith.constant 9.99999974E-5 : f32
    %mul3A_37 = vector.broadcast %mul3A : f32 to vector<1x128xf32>
    %mul3A_38 = arith.mulf %broadcast_in_dim3A, %mul3A_37 : vector<1x128xf32>
    %sub3A_39 = vector.broadcast %mul3A_38 : vector<1x128xf32> to vector<10000x128xf32>
    %sub3A_40 = arith.subf %max3A_35, %sub3A_39 : vector<10000x128xf32>
    %mul3A_41 = arith.mulf %sub3A_40, %sub3A_40 : vector<10000x128xf32>
    %reduce_sum3A_42 = arith.constant dense<0.000000e+00> : vector<128xf32>
    %reduce_sum3A_43 = vector.multi_reduction <add>, %mul3A_41, %reduce_sum3A_42 [0] : vector<10000x128xf32> to vector<128xf32>
    %broadcast_in_dim3A_44 = vector.shape_cast %reduce_sum3A_43 : vector<128xf32> to vector<1x128xf32>
    %mul3A_45 = arith.constant 9.99999974E-5 : f32
    %mul3A_46 = vector.broadcast %mul3A_45 : f32 to vector<1x128xf32>
    %mul3A_47 = arith.mulf %broadcast_in_dim3A_44, %mul3A_46 : vector<1x128xf32>
    %add3A_48 = arith.constant 9.99999974E-6 : f32
    %add3A_49 = vector.broadcast %add3A_48 : f32 to vector<1x128xf32>
    %add3A_50 = arith.addf %mul3A_47, %add3A_49 : vector<1x128xf32>
    %rsqrt3A = math.rsqrt %add3A_50 : vector<1x128xf32>
    %mul3A_51 = vector.broadcast %rsqrt3A : vector<1x128xf32> to vector<10000x128xf32>
    %mul3A_52 = arith.mulf %sub3A_40, %mul3A_51 : vector<10000x128xf32>
    %get3A_53 = arith.constant 0 : index
    %get3A_54 = arith.constant 0 : index
    %get3A_55 = vector.load %arg6[%get3A_53, %get3A_54] : memref<1x128xf32, #tpu.memory_space<vmem>>, vector<1x128xf32>
    %mul3A_56 = vector.broadcast %get3A_55 : vector<1x128xf32> to vector<10000x128xf32>
    %mul3A_57 = arith.mulf %mul3A_52, %mul3A_56 : vector<10000x128xf32>
    %get3A_58 = arith.constant 0 : index
    %get3A_59 = arith.constant 0 : index
    %get3A_60 = vector.load %arg7[%get3A_58, %get3A_59] : memref<1x128xf32, #tpu.memory_space<vmem>>, vector<1x128xf32>
    %add3A_61 = vector.broadcast %get3A_60 : vector<1x128xf32> to vector<10000x128xf32>
    %add3A_62 = arith.addf %mul3A_57, %add3A_61 : vector<10000x128xf32>
    %swap3A = arith.constant 0 : index
    %swap3A_63 = arith.constant 0 : index
    %swap3A_64 = vector.load %arg9[%swap3A, %swap3A_63] : memref<10000x128xf32, #tpu.memory_space<vmem>>, vector<10000x128xf32>
    tpu.vector_store %arg9[%swap3A, %swap3A_63], %add3A_62 {strides = array<i32>} : memref<10000x128xf32, #tpu.memory_space<vmem>>, vector<10000x128xf32>,
    %get3A_65 = arith.constant 0 : index
    %get3A_66 = arith.constant 0 : index
    %get3A_67 = vector.load %arg8[%get3A_65, %get3A_66] : memref<10000x64xf32, #tpu.memory_space<vmem>>, vector<10000x64xf32>
    %dot_general3A_68 = arith.constant dense<0.000000e+00> : vector<64x128xf32>
    %dot_general3A_69 = tpu.matmul %get3A_67, %add3A_62, %dot_general3A_68 {dimension_numbers = #tpu.dot_dimension_numbers<[0], [0], [1], [1], [0, 1, 1, 1], [], []>, precision = #tpu.contract_precision<fp32>, transpose_lhs_hint = false} : vector<10000x64xf32>, vector<10000x128xf32>, vector<64x128xf32> -> vector<64x128xf32>
    %swap3A_70 = arith.constant 0 : index
    %swap3A_71 = arith.constant 0 : index
    %swap3A_72 = vector.load %arg10[%swap3A_70, %swap3A_71] : memref<64x128xf32, #tpu.memory_space<vmem>>, vector<64x128xf32>
    tpu.vector_store %arg10[%swap3A_70, %swap3A_71], %dot_general3A_69 {strides = array<i32>} : memref<64x128xf32, #tpu.memory_space<vmem>>, vector<64x128xf32>,
    return
  }
}

module attributes {stable_mosaic.version = 14 : i64} {
  func.func @_tc_body(%arg0: memref<2x10000x128xf32, #tpu.memory_space<vmem>>, %arg1: memref<10000x128xf32, #tpu.memory_space<vmem>>, %arg2: memref<128x128xf32, #tpu.memory_space<vmem>>, %arg3: memref<1x128xf32, #tpu.memory_space<vmem>>, %arg4: memref<128x128xf32, #tpu.memory_space<vmem>>, %arg5: memref<1x128xf32, #tpu.memory_space<vmem>>, %arg6: memref<1x128xf32, #tpu.memory_space<vmem>>, %arg7: memref<1x128xf32, #tpu.memory_space<vmem>>, %arg8: memref<10000x64xf32, #tpu.memory_space<vmem>>, %arg9: memref<10000x128xf32, #tpu.memory_space<vmem>>, %arg10: memref<64x128xf32, #tpu.memory_space<vmem>>) attributes {dimension_semantics = [], scalar_prefetch = 0 : i64, scratch_operands = 0 : i64, tpu.core_type = #tpu.core_type<tc>} {
    %get3A = arith.constant 0 : index
    %get3A_0 = arith.constant 0 : index
    %get3A_1 = arith.constant 0 : index
    %get3A_2 = vector.load %arg0[%get3A, %get3A_0, %get3A_1] : memref<2x10000x128xf32, #tpu.memory_space<vmem>>, vector<1x10000x128xf32>
    %get3A_3 = vector.shape_cast %get3A_2 : vector<1x10000x128xf32> to vector<10000x128xf32>
    %get3A_4 = arith.constant 1 : index
    %get3A_5 = arith.constant 0 : index
    %get3A_6 = arith.constant 0 : index
    %get3A_7 = vector.load %arg0[%get3A_4, %get3A_5, %get3A_6] : memref<2x10000x128xf32, #tpu.memory_space<vmem>>, vector<1x10000x128xf32>
    %get3A_8 = vector.shape_cast %get3A_7 : vector<1x10000x128xf32> to vector<10000x128xf32>
    %add3A = arith.addf %get3A_3, %get3A_8 : vector<10000x128xf32>
    %get3A_9 = arith.constant 0 : index
    %get3A_10 = arith.constant 0 : index
    %get3A_11 = vector.load %arg1[%get3A_9, %get3A_10] : memref<10000x128xf32, #tpu.memory_space<vmem>>, vector<10000x128xf32>
    %sub3A = arith.subf %add3A, %get3A_11 : vector<10000x128xf32>
    %get3A_12 = arith.constant 0 : index
    %get3A_13 = arith.constant 0 : index
    %get3A_14 = vector.load %arg2[%get3A_12, %get3A_13] : memref<128x128xf32, #tpu.memory_space<vmem>>, vector<128x128xf32>
    %dot_general3A = arith.constant dense<0.000000e+00> : vector<10000x128xf32>
    %dot_general3A_15 = tpu.matmul %sub3A, %get3A_14, %dot_general3A {dimension_numbers = #tpu.dot_dimension_numbers<[1], [0], [0], [1], [0, 0, 1, 1], [], []>, transpose_lhs_hint = false} : vector<10000x128xf32>, vector<128x128xf32>, vector<10000x128xf32> -> vector<10000x128xf32>
    %get3A_16 = arith.constant 0 : index
    %get3A_17 = arith.constant 0 : index
    %get3A_18 = vector.load %arg3[%get3A_16, %get3A_17] : memref<1x128xf32, #tpu.memory_space<vmem>>, vector<1x128xf32>
    %add3A_19 = vector.broadcast %get3A_18 : vector<1x128xf32> to vector<10000x128xf32>
    %add3A_20 = arith.addf %dot_general3A_15, %add3A_19 : vector<10000x128xf32>
    %max3A = arith.constant 0.000000e+00 : f32
    %max3A_21 = vector.broadcast %max3A : f32 to vector<10000x128xf32>
    %max3A_22 = arith.maximumf %add3A_20, %max3A_21 : vector<10000x128xf32>
    %get3A_23 = arith.constant 0 : index
    %get3A_24 = arith.constant 0 : index
    %get3A_25 = vector.load %arg4[%get3A_23, %get3A_24] : memref<128x128xf32, #tpu.memory_space<vmem>>, vector<128x128xf32>
    %dot_general3A_26 = arith.constant dense<0.000000e+00> : vector<10000x128xf32>
    %dot_general3A_27 = tpu.matmul %max3A_22, %get3A_25, %dot_general3A_26 {dimension_numbers = #tpu.dot_dimension_numbers<[1], [0], [0], [1], [0, 0, 1, 1], [], []>, transpose_lhs_hint = false} : vector<10000x128xf32>, vector<128x128xf32>, vector<10000x128xf32> -> vector<10000x128xf32>
    %get3A_28 = arith.constant 0 : index
    %get3A_29 = arith.constant 0 : index
    %get3A_30 = vector.load %arg5[%get3A_28, %get3A_29] : memref<1x128xf32, #tpu.memory_space<vmem>>, vector<1x128xf32>
    %add3A_31 = vector.broadcast %get3A_30 : vector<1x128xf32> to vector<10000x128xf32>
    %add3A_32 = arith.addf %dot_general3A_27, %add3A_31 : vector<10000x128xf32>
    %max3A_33 = arith.constant 0.000000e+00 : f32
    %max3A_34 = vector.broadcast %max3A_33 : f32 to vector<10000x128xf32>
    %max3A_35 = arith.maximumf %add3A_32, %max3A_34 : vector<10000x128xf32>
    %reduce_sum3A = arith.constant dense<0.000000e+00> : vector<128xf32>
    %reduce_sum3A_36 = vector.multi_reduction <add>, %max3A_35, %reduce_sum3A [0] : vector<10000x128xf32> to vector<128xf32>
    %broadcast_in_dim3A = vector.shape_cast %reduce_sum3A_36 : vector<128xf32> to vector<1x128xf32>
    %mul3A = arith.constant 9.99999974E-5 : f32
    %mul3A_37 = vector.broadcast %mul3A : f32 to vector<1x128xf32>
    %mul3A_38 = arith.mulf %broadcast_in_dim3A, %mul3A_37 : vector<1x128xf32>
    %sub3A_39 = vector.broadcast %mul3A_38 : vector<1x128xf32> to vector<10000x128xf32>
    %sub3A_40 = arith.subf %max3A_35, %sub3A_39 : vector<10000x128xf32>
    %mul3A_41 = arith.mulf %sub3A_40, %sub3A_40 : vector<10000x128xf32>
    %reduce_sum3A_42 = arith.constant dense<0.000000e+00> : vector<128xf32>
    %reduce_sum3A_43 = vector.multi_reduction <add>, %mul3A_41, %reduce_sum3A_42 [0] : vector<10000x128xf32> to vector<128xf32>
    %broadcast_in_dim3A_44 = vector.shape_cast %reduce_sum3A_43 : vector<128xf32> to vector<1x128xf32>
    %mul3A_45 = arith.constant 9.99999974E-5 : f32
    %mul3A_46 = vector.broadcast %mul3A_45 : f32 to vector<1x128xf32>
    %mul3A_47 = arith.mulf %broadcast_in_dim3A_44, %mul3A_46 : vector<1x128xf32>
    %add3A_48 = arith.constant 9.99999974E-6 : f32
    %add3A_49 = vector.broadcast %add3A_48 : f32 to vector<1x128xf32>
    %add3A_50 = arith.addf %mul3A_47, %add3A_49 : vector<1x128xf32>
    %rsqrt3A = math.rsqrt %add3A_50 : vector<1x128xf32>
    %mul3A_51 = vector.broadcast %rsqrt3A : vector<1x128xf32> to vector<10000x128xf32>
    %mul3A_52 = arith.mulf %sub3A_40, %mul3A_51 : vector<10000x128xf32>
    %get3A_53 = arith.constant 0 : index
    %get3A_54 = arith.constant 0 : index
    %get3A_55 = vector.load %arg6[%get3A_53, %get3A_54] : memref<1x128xf32, #tpu.memory_space<vmem>>, vector<1x128xf32>
    %mul3A_56 = vector.broadcast %get3A_55 : vector<1x128xf32> to vector<10000x128xf32>
    %mul3A_57 = arith.mulf %mul3A_52, %mul3A_56 : vector<10000x128xf32>
    %get3A_58 = arith.constant 0 : index
    %get3A_59 = arith.constant 0 : index
    %get3A_60 = vector.load %arg7[%get3A_58, %get3A_59] : memref<1x128xf32, #tpu.memory_space<vmem>>, vector<1x128xf32>
    %add3A_61 = vector.broadcast %get3A_60 : vector<1x128xf32> to vector<10000x128xf32>
    %add3A_62 = arith.addf %mul3A_57, %add3A_61 : vector<10000x128xf32>
    %swap3A = arith.constant 0 : index
    %swap3A_63 = arith.constant 0 : index
    %swap3A_64 = vector.load %arg9[%swap3A, %swap3A_63] : memref<10000x128xf32, #tpu.memory_space<vmem>>, vector<10000x128xf32>
    tpu.vector_store %arg9[%swap3A, %swap3A_63], %add3A_62 {strides = array<i32>} : memref<10000x128xf32, #tpu.memory_space<vmem>>, vector<10000x128xf32>,
    %get3A_65 = arith.constant 0 : index
    %get3A_66 = arith.constant 0 : index
    %get3A_67 = vector.load %arg8[%get3A_65, %get3A_66] : memref<10000x64xf32, #tpu.memory_space<vmem>>, vector<10000x64xf32>
    %dot_general3A_68 = arith.constant dense<0.000000e+00> : vector<64x128xf32>
    %dot_general3A_69 = tpu.matmul %get3A_67, %add3A_62, %dot_general3A_68 {dimension_numbers = #tpu.dot_dimension_numbers<[0], [0], [1], [1], [0, 1, 1, 1], [], []>, precision = #tpu.contract_precision<fp32>, transpose_lhs_hint = false} : vector<10000x64xf32>, vector<10000x128xf32>, vector<64x128xf32> -> vector<64x128xf32>
    %swap3A_70 = arith.constant 0 : index
    %swap3A_71 = arith.constant 0 : index
    %swap3A_72 = vector.load %arg10[%swap3A_70, %swap3A_71] : memref<64x128xf32, #tpu.memory_space<vmem>>, vector<64x128xf32>
    tpu.vector_store %arg10[%swap3A_70, %swap3A_71], %dot_general3A_69 {strides = array<i32>} : memref<64x128xf32, #tpu.memory_space<vmem>>, vector<64x128xf32>,
    return
  }
}

</mosaic_0001>

<sc_bundles>
// kernel: kernel.11.cloned.1.call-start
scs
__scs_entry_jumppad:
0x0: {  	(pc) =	sbr.rel $0x88, $3  }
0x1: {  	(tag) =	ssettag $0x0;
	lr =	simm.s32 $0x1  }
0x2: {  	[smem:$0x3F8C] =	sst lr;
	_ =	strace $0xD0000000  }
0x3: {  	_ = 	snop  }
0x4: {  	_ = 	snop  }
0x5: {  	_ = 	snop  }
0x6: {  	_ = 	snop  }
0x7: {  	_ = 	snop  }
__scs_overlays_trampoline_lowered:
0x8: {  	[smem:$0x3F9B] =	sst s0  }
0x9: {  	[smem:$0x3F9C] =	sst s1  }
0xa: {  	[smem:$0x3F9D] =	sst s2  }
0xb: {  	[smem:$0x3F9E] =	sst s3  }
0xc: {  	[smem:$0x3F9F] =	sst s4  }
0xd: {  	[smem:$0x3FA0] =	sst s5  }
0xe: {  	[smem:$0x3FA1] =	sst s6  }
0xf: {  	[smem:$0x3FA2] =	sst s7  }
0x10: {  	[smem:$0x3FA3] =	sst s8  }
0x11: {  	[smem:$0x3FA4] =	sst s9;
	s0 =	simm.s32 @!p0 $0x0  }
0x12: {  	s1 =	sld [smem:$0x3F8A];
	s0 =	simm.s32 @p0 $0x1  }
0x13: {  	[smem:$0x3FA5] =	sst s0;
	s0 =	simm.s32 @!p1 $0x0  }
0x14: {  	s2 =	sld [smem:$0x3F89];
	s0 =	simm.s32 @p1 $0x1  }
0x15: {  	[smem:$0x3FA6] =	sst s0;
	s0 =	simm.s32 @!p2 $0x0  }
0x16: {  	s3 =	sld [smem:$0x3FDB];
	s0 =	simm.s32 @p2 $0x1  }
0x17: {  	s4 =	simm.s32 $0x1BF5;
	[smem:$0x3FA8] =	sst s0  }
0x18: {  	s0 =	sld [smem:$0x3F8B];
	_ =	swait.ge [sflag:s4], $0x0  }
0x19: {  	s7 =	sld [smem:$0x3F8C]  }
0x1a: {  	s8 =	sadd.s32 $0xFFFFE003, lr  }
0x1b: {  	s9 =	sadd.s32 $0xFFFFFEF7, lr;
	s5 =	simm.s32 $0xFFFFFFFF;
	p2 =	slt.u32 s8, $0xFFFFF086  }
0x1c: {  	p1 =	slt.u32 s9, $0xF7A;
	s5 =	simm.s32 @!p2 $0x0  }
0x1d: {  	s5 =	simm.s32 @p1 $0x1;
	p0 =	seq.s32 s7, s2  }
0x1e: {  	s7 =	smul.u32 @!p0 $0xF7A, s2;
	p2 =	seq.s32 @!p0 s5, $0x0  }
0x1f: {  	s9 =	smul.u32 $0xF7A, s1;
	s8 =	simm.s32 @!p0 $0x1BF5;
	p2 =	por !p2, p0  }
0x20: {  	[sflag:s8] =	ssyncset.s32 @!p0 $0xFFFFF086;
	s6 =	sadd.s32 @!p0 s3, s7;
	s7 =	simm.s32 @!p0 $0x108  }
0x21: {  	s3 =	sadd.s32 s3, s9;
	s6 =	sadd.s32 @!p0 $0x88, s6;
	s7 =	simm.s32 @p2 $0x1082  }
0x22: {  	[simem:s7], [sflag:s8] =	dma.local @!p0 [hbm:s6], $0xF7A  }
0x23: {  	s9 =	sor.u32 $0xD0000000, s2;
	s6 =	simm.s32 $0x108;
	_ =	swait.ge @!p0 [sflag:s8], $0x0  }
0x24: {  	s3 =	sadd.s32 $0x88, s3;
	s6 =	simm.s32 @!p1 $0x1082;
	[sflag:s4] =	ssyncset.s32 $0xFFFFF086  }
0x25: {  	[simem:s6], [sflag:s4] =	dma.local [hbm:s3], $0xF7A  }
0x26: {  	[smem:$0x3F8C] =	sst s1;
	(tag) =	ssettag s2;
	_ =	strace s9  }
0x27: {  	s1 =	sld [smem:$0x3F9C]  }
0x28: {  	s2 =	sld [smem:$0x3F9D]  }
0x29: {  	s4 =	sld [smem:$0x3F9F]  }
0x2a: {  	p0 =	seq.s32 s5, $0x0;
	s5 =	sld [smem:$0x3FA0]  }
0x2b: {  	s6 =	sld [smem:$0x3FA1]  }
0x2c: {  	s7 =	sld [smem:$0x3FA2]  }
0x2d: {  	s3 =	simm.s32 $0x108;
	s8 =	sld [smem:$0x3FA3]  }
0x2e: {  	s3 =	simm.s32 @!p0 $0x1082;
	s9 =	sld [smem:$0x3FA4]  }
0x2f: {  	lr =	sadd.s32 s0, s3;
	s0 =	sld [smem:$0x3F9B]  }
0x30: {  	s3 =	sld [smem:$0x3F9E]  }
0x31: {  	[smem:$0x3FA7] =	sst s10  }
0x32: {  	s10 =	sld [smem:$0x3FA5];
	_ =	sdelay $0x3  }
0x33: {  	p0 =	seq.s32 s10, $0x1;
	s10 =	sld [smem:$0x3FA7];
	_ =	sdelay $0x3  }
0x34: {  	[smem:$0x3FA7] =	sst s10  }
0x35: {  	s10 =	sld [smem:$0x3FA6];
	_ =	sdelay $0x3  }
0x36: {  	p1 =	seq.s32 s10, $0x1;
	s10 =	sld [smem:$0x3FA7];
	_ =	sdelay $0x3  }
0x37: {  	[smem:$0x3FA7] =	sst s10  }
0x38: {  	s10 =	sld [smem:$0x3FA8]  }
0x39: {  	_ = 	snop;
	(pc) =	sbr.ind lr, $3  }
0x3a: {  	_ = 	snop  }
0x3b: {  	_ = 	snop  }
0x3c: {  	p2 =	seq.s32 s10, $0x1;
	s10 =	sld [smem:$0x3FA7]  }
0x3d: {  	_ =	shalt  }
0x3e: {  	_ =	shalt  }
0x3f: {  	_ =	shalt  }
0x40: {  	_ =	shalt  }
0x41: {  	_ =	shalt  }
0x42: {  	_ =	shalt  }
0x43: {  	_ =	shalt  }
0x44: {  	_ =	shalt  }
0x45: {  	_ =	shalt  }
0x46: {  	_ =	shalt  }
0x47: {  	_ =	shalt  }
0x48: {  	_ =	shalt  }
0x49: {  	_ =	shalt  }
0x4a: {  	_ =	shalt  }
0x4b: {  	_ =	shalt  }
0x4c: {  	_ =	shalt  }
0x4d: {  	_ =	shalt  }
0x4e: {  	_ =	shalt  }
0x4f: {  	_ =	shalt  }
0x50: {  	_ =	shalt  }
0x51: {  	_ =	shalt  }
0x52: {  	_ =	shalt  }
0x53: {  	_ =	shalt  }
0x54: {  	_ =	shalt  }
0x55: {  	_ =	shalt  }
0x56: {  	_ =	shalt  }
0x57: {  	_ =	shalt  }
0x58: {  	_ =	shalt  }
0x59: {  	_ =	shalt  }
0x5a: {  	_ =	shalt  }
0x5b: {  	_ =	shalt  }
0x5c: {  	_ =	shalt  }
0x5d: {  	_ =	shalt  }
0x5e: {  	_ =	shalt  }
0x5f: {  	_ =	shalt  }
0x60: {  	_ =	shalt  }
0x61: {  	_ =	shalt  }
0x62: {  	_ =	shalt  }
0x63: {  	_ =	shalt  }
0x64: {  	_ =	shalt  }
0x65: {  	_ =	shalt  }
0x66: {  	_ =	shalt  }
0x67: {  	_ =	shalt  }
0x68: {  	_ =	shalt  }
0x69: {  	_ =	shalt  }
0x6a: {  	_ =	shalt  }
0x6b: {  	_ =	shalt  }
0x6c: {  	_ =	shalt  }
0x6d: {  	_ =	shalt  }
0x6e: {  	_ =	shalt  }
0x6f: {  	_ =	shalt  }
0x70: {  	_ =	shalt  }
0x71: {  	_ =	shalt  }
0x72: {  	_ =	shalt  }
0x73: {  	_ =	shalt  }
0x74: {  	_ =	shalt  }
0x75: {  	_ =	shalt  }
0x76: {  	_ =	shalt  }
0x77: {  	_ =	shalt  }
0x78: {  	_ =	shalt  }
0x79: {  	_ =	shalt  }
0x7a: {  	_ =	shalt  }
0x7b: {  	_ =	shalt  }
0x7c: {  	_ =	shalt  }
0x7d: {  	_ =	shalt  }
0x7e: {  	_ =	shalt  }
0x7f: {  	_ =	shalt  }
0x80: {  	_ =	shalt  }
0x81: {  	_ =	shalt  }
0x82: {  	_ =	shalt  }
0x83: {  	_ =	shalt  }
0x84: {  	_ =	shalt  }
0x85: {  	_ =	shalt  }
0x86: {  	_ =	shalt  }
0x87: {  	_ =	shalt  }
.Lfunc_end0:
.L_simem_size_0:
called_computation.1_lowered:
.L_overlay_start_0:
0x88: {  	s2 =	sld [smem:$0x3FD9]  }
0x89: {  	s3 =	sld [smem:$0x3FFE];
	_ =	sdelay $0x1  }
0x8a: {  	s1 =	srdreg.scid  }
0x8b: {  	s0 =	sand.u32 $0x1, s1  }
0x8c: {  	s16 =	sshll.u32 s0, $0xA;
	s2 =	sadd.s32 s3, s2  }
0x8d: {  	s2 =	sadd.s32 s2, s16  }
0x8e: {  	[smem:$0x3FB3] =	sst s2  }
0x8f: {  	_ = 	snop  }
0x90: {  	(tm) =	ssettm $0x1  }
0x91: {  	s17 =	sld [smem:$0x3FFB];
	_ =	sdelay $0x3  }
0x92: {  	_ =	strace s17  }
0x93: {  	s2 =	sld [smem:$0x3FFC];
	_ =	sdelay $0x3  }
0x94: {  	_ =	strace s2  }
0x95: {  	s2 =	sld [smem:$0x3FFD];
	_ =	sdelay $0x3  }
0x96: {  	_ =	strace s2  }
0x97: {  	_ =	strace $0x8FFFFFFF  }
0x98: {  	s18 =	sld [smem:$0x3FDB];
	_ =	sdelay $0x1  }
0x99: {  	s19 =	simm.s32 $_scs_section_size  }
0x9a: {  	s4 =	simm.s32 $_size__tile_overlayer_lowered;
	s5 =	simm.s32 $_tile_overlayer_lowered  }
0x9b: {  	s22 =	simm.s32 $0x1BFF;
	s21 =	sshll.u32 s5, $0x1;
	s2 =	sadd.s32 s19, s18  }
0x9c: {  	s6 =	simm.s32 $0x0;
	s20 =	sshll.u32 s4, $0x1;
	s4 =	sadd.s32 s21, s2  }
0x9d: {  	[timem:s6], [sflag:s22] =	dma.local [hbm:s4], s20  }
0x9e: {  	_ =	swait.ge [sflag:s22], s20  }
0x9f: {  	s3 =	ssub.s32 $0x0, s20;
	[sflag:s22] =	ssyncset.done $0x0  }
0xa0: {  	[sflag:s22] =	ssyncadd.s32 s3;
	_ =	sdelay $0x1  }
0xa1: {  	s23 =	simm.s32 $0x1B8B  }
0xa2: {  	_ =	swait.ge [sflag:s23], $0x1  }
0xa3: {  	[sflag:s23] =	ssyncset.done $0x0  }
0xa4: {  	s25 =	simm.s32 $0x1B8E;
	s24 =	sld [smem:$0x3FFE];
	[sflag:s23] =	ssyncadd.s32 $0xFFFFFFFF  }
0xa5: {  	s26 =	simm.s32 $execute0_lowered;
	[smem:$0x3FD2] =	sst s25  }
0xa6: {  	s4 =	sshll.u32 s26, $0x1;
	_ =	strace $0x80000049;
	[dreg:$0x1] =	wrdreg $0xFFFFFFFF  }
0xa7: {  	s28 =	simm.s32 $_size_execute0_lowered;
	s2 =	sadd.s32 s2, s4;
	[dreg:$0x0] =	wrdreg $0x0  }
0xa8: {  	s4 =	sshll.u32 s28, $0x1;
	[dreg:$0x2] =	wrdreg s2  }
0xa9: {  	[dreg:$0x3] =	wrdreg s4  }
0xaa: {  	[dreg:$0x4] =	wrdreg $0xC0  }
0xab: {  	_ =	task [dreg:s6], $0x5FFFF  }
0xac: {  	[dreg:$0x1] =	wrdreg $0xFFFFFFFF  }
0xad: {  	[dreg:$0x0] =	wrdreg $0x60  }
0xae: {  	[dreg:$0x2] =	wrdreg s24  }
0xaf: {  	[dreg:$0x3] =	wrdreg $0xA8000  }
0xb0: {  	[dreg:$0x4] =	wrdreg $0x9  }
0xb1: {  	_ =	task.clear_ibuf [dreg:s6], $0x5FFFF;
	_ =	strace $0x90000049  }
0xb2: {  	s29 =	simm.s32 $0x9;
	_ =	strace $0x8000004B  }
0xb3: {  	_ =	swait.ge [sflag:s29], $0x1  }
0xb4: {  	[sflag:s29] =	ssyncadd.s32 $0xFFFFFFFF  }
0xb5: {  	_ =	strace $0x9000004B  }
0xb6: {  	_ =	sfence  }
0xb7: {  	s30 =	sld [smem:$0x0];
	_ =	sdelay $0x2  }
0xb8: {  	s31 =	sshll.u32 s1, $0xD;
	s1 =	sshrl.u32 s1, $0x2  }
0xb9: {  	s3 =	sand.u32 $0x4000, s31;
	s1 =	sadd.s32 s1, s30  }
0xba: {  	s0 =	sor.u32 s3, s0;
	s1 =	sshll.u32 s1, $0x11  }
0xbb: {  	s0 =	sor.u32 s1, s0  }
0xbc: {  	s0 =	sadd.s32 $0x8F2B, s0  }
0xbd: {  	[sflag:s0] =	ssyncadd.remote.s32 $0x1  }
0xbe: {  	_ =	sfence.sel $0xFFFF  }
0xbf: {  	[dreg:$0x0] =	wrdreg $0xFFFFFFFF;
	(pc) =	sbr.abs _section_cstart, $3  }
0xc0: {  	[dreg:$0x1] =	wrdreg $0xFFFFFFFF  }
0xc1: {  	_ =	task.clear_ibuf [dreg:s6], $0x2FFFF;
	_ =	strace $0x9FFFFFFF  }
0xc2: {  	(tm) =	ssettm $0x7FFFFFFF  }
0xc3: {  	_ =	shalt  }
tec
execute0_lowered:
.L_overlay_start_1:
0x0: {  	(tag) =	ssettag $0x1  }
0x1: {  	s6 =	rddreg [dreg:$0x0]  }
0x2: {  	s1 =	rddreg [dreg:$0x1]  }
0x3: {  	s2 =	simm.s32 $0x0;
	s5 =	srdreg.scid;
	s3 =	stileid.u32  }
0x4: {  	s18 =	simm.s32 $0x4;
	s19 =	simm.s32 $0x1400;
	s20 =	simm.s32 $0x7D  }
0x5: {  	s21 =	simm.s32 $0x2800;
	s22 =	simm.s32 $0x80;
	s23 =	simm.s32 $0x6800  }
0x6: {  	s28 =	simm.s32 $0x2780;
	s29 =	simm.s32 $0x0;
	[smem:$0x7FF] =	sst s2  }
0x7: {  	s4 =	sadd.s32 $0x18000, s6;
	s12 =	sadd.s32 $0xE000, s6;
	s7 =	smul.u32 $0x4F000, s3  }
0x8: {  	s5 =	sand.u32 $0x1, s5;
	s14 =	sadd.s32 $0x4000, s6;
	s9 =	smul.u32 $0x2780, s3  }
0x9: {  	s10 =	sadd.s32 $0x3F200, s6;
	s15 =	sshll.u32 s3, $0x1;
	s16 =	smul.u32 $0x13C00, s3  }
0xa: {  	s6 =	sadd.s32 $0x3D080, s6;
	p0 =	seq.s32 s3, $0xF;
	_ =	strace $0x8000004A  }
0xb: {  	s8 =	ssub.s32 $0x2, s5;
	s13 =	smul.u32 $0x138800, s5;
	s24 =	sor.u32 s5, s15  }
0xc: {  	s15 =	sadd.s32 $0x128400, s1;
	s11 =	sshrl.u32 s8, $0x1;
	s7 =	sshrl.u32 s7, $0x2  }
0xd: {  	s5 =	sadd.s32 s4, s9;
	s26 =	smul.u32 $0x2800, s24;
	s15 =	sshrl.u32 @p0 s15, $0x3  }
0xe: {  	s24 =	simm.s32 $0x1;
	s11 =	ssub.s32 s8, s11;
	s17 =	sadd.s32 s7, s1  }
0xf: {  	s25 =	sadd.s32 s16, s13;
	s30 =	sshrl.u32 s13, $0x3;
	s13 =	sshll.u32 @!p0 s3, $0x6  }
0x10: {  	s7 =	sshrl.u32 s25, $0x3;
	s8 =	sadd.s32 s10, s30;
	s9 =	smax.u32 s11, $0x1  }
0x11: {  	s31 =	sshrl.u32 s26, $0x3;
	s17 =	sshrl.u32 @!p0 s17, $0x3;
	s25 =	simm.s32 $0x2  }
0x12: {  	s26 =	simm.s32 $0x2700;
	s7 =	sadd.s32 s10, s7;
	s8 =	sadd.s32 $0x25080, s8  }
0x13: {  	s10 =	sadd.s32 s12, s31;
	s16 =	sadd.s32 $0x280, s31;
	s11 =	sadd.s32 s14, s31  }
0x14: {  	s12 =	sadd.s32 s12, s16;
	s14 =	sadd.s32 s14, s16;
	s16 =	sor.u32 @!p0 $0x1C03, s13  }
.LBB2_1:
0x15: {  	s30 =	simm.s32 @p0 $0x1FC3  }
0x16: {  	[spmem:s15], [sflag:s30] =	dma.local @p0 [hbm:s6], $0x2080  }
0x17: {  	[spmem:s17], [sflag:s16] =	dma.local @!p0 [hbm:s5], $0x2780  }
0x18: {  	[tilespmem:s2], [sflag:$0x4] =	stream.linear.gather [hbm4b:s10+s2], $0x1400, $0x38;
	[tilespmem:$0x1E080] =	vst v63  }
0x19: {  	_ =	swait.ge [sflag:s18], $0x1400  }
0x1a: {  	[sflag:s18] =	ssyncset.done $0x0  }
0x1b: {  	[sflag:s18] =	ssyncadd.s32 $0xFFFFEC00  }
0x1c: {  	[tilespmem:s19], [sflag:$0x4] =	stream.linear.gather [hbm4b:s11+s2], $0x1400, $0x38;
	[tilespmem:$0x1E080] =	vst v63  }
0x1d: {  	_ =	swait.ge [sflag:s18], $0x1400  }
0x1e: {  	[sflag:s18] =	ssyncset.done $0x0  }
0x1f: {  	[sflag:s18] =	ssyncadd.s32 $0xFFFFEC00  }
0x20: {  	[tilespmem:s21], [sflag:$0x1] =	stream.indirect.gather [hbm4b:s4+s20], $0x80, s2, s20, $0xb8;
	[tilespmem:$0x1E080] =	vst v63  }
0x21: {  	s30 =	simm.s32 @p0 $0x3  }
0x22: {  	[tilespmem:s23], [sflag:$0x2] =	stream.indirect.gather [hbm4b:s4+s20], $0x80, s22, s20, $0xb8;
	[tilespmem:$0x1E080] =	vst v63  }
0x23: {  	_ =	swait.ge @p0 [sflag:s30], $0x2080  }
0x24: {  	[sflag:s30] =	ssyncset.done @p0 $0x0  }
0x25: {  	[sflag:s30] =	ssyncadd.s32 @p0 $0xFFFFDF80;
	s30 =	simm.s32 @!p0 $0x3  }
0x26: {  	_ =	swait.ge @!p0 [sflag:s30], $0x2780  }
0x27: {  	[sflag:s30] =	ssyncset.done @!p0 $0x0  }
0x28: {  	[sflag:s30] =	ssyncadd.s32 @!p0 $0xFFFFD880  }
0x29: {  	[bflag:$0x0] =	sbarrier.arrive $0xFFFF  }
0x2a: {  	_ =	swait.ge [sflag:s24], $0x3E80  }
0x2b: {  	[sflag:s24] =	ssyncset.done $0x0  }
0x2c: {  	s30 =	simm.s32 $0x1400;
	[sflag:s24] =	ssyncadd.s32 $0xFFFFC180  }
0x2d: {  	[spmem:s1] =	stream.indirect.scatter.add.f32 [tilespmem:s21], [sflag:$0x4], $0x80, s30, s20, $0xb8;
	[tilespmem:$0x1E080] =	vst v63  }
0x2e: {  	_ =	swait.ge [sflag:s18], $0x3E80  }
0x2f: {  	[sflag:s18] =	ssyncset.done $0x0  }
0x30: {  	s30 =	simm.s32 $0x100;
	[sflag:s18] =	ssyncadd.s32 $0xFFFFC180  }
0x31: {  	[tilespmem:s21], [sflag:$0x1] =	stream.indirect.gather [hbm4b:s4+s20], $0x80, s30, s20, $0xb8;
	[tilespmem:$0x1E080] =	vst v63  }
0x32: {  	_ =	swait.ge [sflag:s25], $0x3E80  }
0x33: {  	[sflag:s25] =	ssyncset.done $0x0  }
0x34: {  	s30 =	simm.s32 $0x1480;
	[sflag:s25] =	ssyncadd.s32 $0xFFFFC180  }
0x35: {  	[spmem:s1] =	stream.indirect.scatter.add.f32 [tilespmem:s23], [sflag:$0x4], $0x80, s30, s20, $0xb8;
	[tilespmem:$0x1E080] =	vst v63  }
0x36: {  	_ =	swait.ge [sflag:s18], $0x3E80  }
0x37: {  	[sflag:s18] =	ssyncset.done $0x0  }
0x38: {  	s31 =	simm.s32 $0x180;
	s30 =	simm.s32 $0x400;
	[sflag:s18] =	ssyncadd.s32 $0xFFFFC180  }
.LBB2_2:
0x39: {  	[tilespmem:s23], [sflag:$0x2] =	stream.indirect.gather [hbm4b:s4+s20], $0x80, s31, s20, $0xb8;
	[tilespmem:$0x1E080] =	vst v63  }
0x3a: {  	s31 =	smov.u32 s30  }
0x3b: {  	p1 =	sne.s32 s30, $0x4800;
	s30 =	sadd.s32 $0x400, s30;
	_ =	swait.ge [sflag:s24], $0x3E80  }
0x3c: {  	s31 =	sshra.s32 s31, $0x2;
	[sflag:s24] =	ssyncset.done $0x0  }
0x3d: {  	s0 =	sadd.s32 $0x1400, s31;
	[sflag:s24] =	ssyncadd.s32 $0xFFFFC180  }
0x3e: {  	[spmem:s1] =	stream.indirect.scatter.add.f32 [tilespmem:s21], [sflag:$0x4], $0x80, s0, s20, $0xb8;
	[tilespmem:$0x1E080] =	vst v63  }
0x3f: {  	_ =	swait.ge [sflag:s18], $0x3E80  }
0x40: {  	[sflag:s18] =	ssyncset.done $0x0  }
0x41: {  	s0 =	sadd.s32 $0x100, s31;
	[sflag:s18] =	ssyncadd.s32 $0xFFFFC180  }
0x42: {  	[tilespmem:s21], [sflag:$0x1] =	stream.indirect.gather [hbm4b:s4+s20], $0x80, s0, s20, $0xb8;
	[tilespmem:$0x1E080] =	vst v63  }
0x43: {  	_ =	swait.ge [sflag:s25], $0x3E80  }
0x44: {  	[sflag:s25] =	ssyncset.done $0x0  }
.Ltmp0:
0x45: {  	s0 =	sadd.s32 $0x1480, s31;
	[sflag:s25] =	ssyncadd.s32 $0xFFFFC180;
	(pc) =	sbr.rel @p1 .LBB2_2-.Ltmp0, $4  }
0x46: {  	[spmem:s1] =	stream.indirect.scatter.add.f32 [tilespmem:s23], [sflag:$0x4], $0x80, s0, s20, $0xb8;
	[tilespmem:$0x1E080] =	vst v63  }
0x47: {  	_ =	swait.ge [sflag:s18], $0x3E80  }
0x48: {  	[sflag:s18] =	ssyncset.done $0x0  }
0x49: {  	s31 =	sadd.s32 $0x180, s31;
	[sflag:s18] =	ssyncadd.s32 $0xFFFFC180  }
0x4a: {  	[tilespmem:s23], [sflag:$0x2] =	stream.indirect.gather [hbm4b:s4+s20], $0x80, s31, s20, $0xb8;
	[tilespmem:$0x1E080] =	vst v63  }
0x4b: {  	_ =	swait.ge [sflag:s24], $0x3E80  }
0x4c: {  	[sflag:s24] =	ssyncset.done $0x0  }
0x4d: {  	[sflag:s24] =	ssyncadd.s32 $0xFFFFC180  }
0x4e: {  	[spmem:s1] =	stream.indirect.scatter.add.f32 [tilespmem:s21], [sflag:$0x4], $0x80, s26, s20, $0xb8;
	[tilespmem:$0x1E080] =	vst v63  }
0x4f: {  	_ =	swait.ge [sflag:s18], $0x3E80  }
0x50: {  	[sflag:s18] =	ssyncset.done $0x0  }
0x51: {  	[sflag:s18] =	ssyncadd.s32 $0xFFFFC180  }
0x52: {  	_ =	swait.ge [sflag:s25], $0x3E80  }
0x53: {  	[sflag:s25] =	ssyncset.done $0x0  }
0x54: {  	[sflag:s25] =	ssyncadd.s32 $0xFFFFC180  }
0x55: {  	[spmem:s1] =	stream.indirect.scatter.add.f32 [tilespmem:s23], [sflag:$0x4], $0x80, s28, s20, $0xb8;
	[tilespmem:$0x1E080] =	vst v63  }
0x56: {  	_ =	swait.ge [sflag:s18], $0x3E80  }
0x57: {  	[sflag:s18] =	ssyncset.done $0x0  }
0x58: {  	s0 =	simm.s32 $0x0;
	[sflag:s18] =	ssyncadd.s32 $0xFFFFC180  }
0x59: {  	[tilespmem:s0], [sflag:$0x4] =	stream.linear.gather [hbm4b:s12+s0], $0x1400, $0x38;
	[tilespmem:$0x1E080] =	vst v63  }
0x5a: {  	_ =	swait.ge [sflag:s18], $0x1400  }
0x5b: {  	[sflag:s18] =	ssyncset.done $0x0  }
0x5c: {  	[sflag:s18] =	ssyncadd.s32 $0xFFFFEC00  }
0x5d: {  	[tilespmem:s19], [sflag:$0x4] =	stream.linear.gather [hbm4b:s14+s0], $0x1400, $0x38;
	[tilespmem:$0x1E080] =	vst v63  }
0x5e: {  	_ =	swait.ge [sflag:s18], $0x1400  }
0x5f: {  	[sflag:s18] =	ssyncset.done $0x0  }
0x60: {  	[sflag:s18] =	ssyncadd.s32 $0xFFFFEC00  }
0x61: {  	[tilespmem:s21], [sflag:$0x1] =	stream.indirect.gather [hbm4b:s4+s20], $0x80, s0, s20, $0xb8;
	[tilespmem:$0x1E080] =	vst v63  }
0x62: {  	_ = 	snop  }
0x63: {  	[tilespmem:s23], [sflag:$0x2] =	stream.indirect.gather [hbm4b:s4+s20], $0x80, s22, s20, $0xb8;
	[tilespmem:$0x1E080] =	vst v63  }
0x64: {  	_ =	swait.ge [sflag:s24], $0x3E80  }
0x65: {  	[sflag:s24] =	ssyncset.done $0x0  }
0x66: {  	s0 =	simm.s32 $0x1400;
	[sflag:s24] =	ssyncadd.s32 $0xFFFFC180  }
0x67: {  	[spmem:s1] =	stream.indirect.scatter.add.f32 [tilespmem:s21], [sflag:$0x4], $0x80, s0, s20, $0xb8;
	[tilespmem:$0x1E080] =	vst v63  }
0x68: {  	_ =	swait.ge [sflag:s18], $0x3E80  }
0x69: {  	[sflag:s18] =	ssyncset.done $0x0  }
0x6a: {  	s0 =	simm.s32 $0x100;
	[sflag:s18] =	ssyncadd.s32 $0xFFFFC180  }
0x6b: {  	[tilespmem:s21], [sflag:$0x1] =	stream.indirect.gather [hbm4b:s4+s20], $0x80, s0, s20, $0xb8;
	[tilespmem:$0x1E080] =	vst v63  }
0x6c: {  	_ =	swait.ge [sflag:s25], $0x3E80  }
0x6d: {  	[sflag:s25] =	ssyncset.done $0x0  }
0x6e: {  	s0 =	simm.s32 $0x1480;
	[sflag:s25] =	ssyncadd.s32 $0xFFFFC180  }
0x6f: {  	[spmem:s1] =	stream.indirect.scatter.add.f32 [tilespmem:s23], [sflag:$0x4], $0x80, s0, s20, $0xb8;
	[tilespmem:$0x1E080] =	vst v63  }
0x70: {  	_ =	swait.ge [sflag:s18], $0x3E80  }
0x71: {  	[sflag:s18] =	ssyncset.done $0x0  }
0x72: {  	s30 =	simm.s32 $0x400;
	s31 =	simm.s32 $0x180;
	[sflag:s18] =	ssyncadd.s32 $0xFFFFC180  }
.LBB2_4:
0x73: {  	[tilespmem:s23], [sflag:$0x2] =	stream.indirect.gather [hbm4b:s4+s20], $0x80, s31, s20, $0xb8;
	[tilespmem:$0x1E080] =	vst v63  }
0x74: {  	s0 =	smov.u32 s30  }
0x75: {  	p1 =	sne.s32 s30, $0x4800;
	s30 =	sadd.s32 $0x400, s30;
	_ =	swait.ge [sflag:s24], $0x3E80  }
0x76: {  	s0 =	sshra.s32 s0, $0x2;
	[sflag:s24] =	ssyncset.done $0x0  }
0x77: {  	s31 =	sadd.s32 $0x1400, s0;
	[sflag:s24] =	ssyncadd.s32 $0xFFFFC180  }
0x78: {  	[spmem:s1] =	stream.indirect.scatter.add.f32 [tilespmem:s21], [sflag:$0x4], $0x80, s31, s20, $0xb8;
	[tilespmem:$0x1E080] =	vst v63  }
0x79: {  	_ =	swait.ge [sflag:s18], $0x3E80  }
0x7a: {  	[sflag:s18] =	ssyncset.done $0x0  }
0x7b: {  	s31 =	sadd.s32 $0x100, s0;
	[sflag:s18] =	ssyncadd.s32 $0xFFFFC180  }
0x7c: {  	[tilespmem:s21], [sflag:$0x1] =	stream.indirect.gather [hbm4b:s4+s20], $0x80, s31, s20, $0xb8;
	[tilespmem:$0x1E080] =	vst v63  }
0x7d: {  	_ =	swait.ge [sflag:s25], $0x3E80  }
0x7e: {  	[sflag:s25] =	ssyncset.done $0x0  }
.Ltmp1:
0x7f: {  	s31 =	sadd.s32 $0x1480, s0;
	[sflag:s25] =	ssyncadd.s32 $0xFFFFC180;
	(pc) =	sbr.rel @p1 .LBB2_4-.Ltmp1, $4  }
0x80: {  	[spmem:s1] =	stream.indirect.scatter.add.f32 [tilespmem:s23], [sflag:$0x4], $0x80, s31, s20, $0xb8;
	[tilespmem:$0x1E080] =	vst v63  }
0x81: {  	_ =	swait.ge [sflag:s18], $0x3E80  }
0x82: {  	[sflag:s18] =	ssyncset.done $0x0  }
0x83: {  	s31 =	sadd.s32 $0x180, s0;
	[sflag:s18] =	ssyncadd.s32 $0xFFFFC180  }
0x84: {  	[tilespmem:s23], [sflag:$0x2] =	stream.indirect.gather [hbm4b:s4+s20], $0x80, s31, s20, $0xb8;
	[tilespmem:$0x1E080] =	vst v63  }
0x85: {  	_ =	swait.ge [sflag:s24], $0x3E80  }
0x86: {  	[sflag:s24] =	ssyncset.done $0x0  }
0x87: {  	[sflag:s24] =	ssyncadd.s32 $0xFFFFC180  }
0x88: {  	[spmem:s1] =	stream.indirect.scatter.add.f32 [tilespmem:s21], [sflag:$0x4], $0x80, s26, s20, $0xb8;
	[tilespmem:$0x1E080] =	vst v63  }
0x89: {  	_ =	swait.ge [sflag:s18], $0x3E80  }
0x8a: {  	[sflag:s18] =	ssyncset.done $0x0  }
0x8b: {  	[sflag:s18] =	ssyncadd.s32 $0xFFFFC180  }
0x8c: {  	_ =	swait.ge [sflag:s25], $0x3E80  }
0x8d: {  	[sflag:s25] =	ssyncset.done $0x0  }
0x8e: {  	[sflag:s25] =	ssyncadd.s32 $0xFFFFC180  }
0x8f: {  	[spmem:s1] =	stream.indirect.scatter.add.f32 [tilespmem:s23], [sflag:$0x4], $0x80, s28, s20, $0xb8;
	[tilespmem:$0x1E080] =	vst v63  }
0x90: {  	_ =	swait.ge [sflag:s18], $0x3E80  }
0x91: {  	[sflag:s18] =	ssyncset.done $0x0  }
0x92: {  	[sflag:s18] =	ssyncadd.s32 $0xFFFFC180  }
0x93: {  	s0 =	simm.s32 @p0 $0x1FC4;
	[bflag:$0x0] =	sbarrier.arrive $0xFFFF  }
0x94: {  	[hbm:s8], [sflag:s0] =	dma.local @p0 [spmem:s15], $0x2080  }
0x95: {  	s0 =	simm.s32 @p0 $0x4  }
0x96: {  	_ =	swait.ge @p0 [sflag:s0], $0x2080  }
0x97: {  	s29 =	sadd.s32 $0x1, s29;
	[sflag:s0] =	ssyncset.done @p0 $0x0  }
0x98: {  	p1 =	sne.s32 s29, s9;
	[sflag:s0] =	ssyncadd.s32 @p0 $0xFFFFDF80;
	s0 =	sor.u32 @!p0 $0x1C04, s13  }
0x99: {  	[hbm:s7], [sflag:s0] =	dma.local @!p0 [spmem:s17], $0x2780  }
.Ltmp2:
0x9a: {  	_ = 	snop;
	(pc) =	sbr.rel @p1 .LBB2_1-.Ltmp2, $4  }
0x9b: {  	s0 =	simm.s32 @!p0 $0x4  }
0x9c: {  	_ =	swait.ge @!p0 [sflag:s0], $0x2780  }
0x9d: {  	[sflag:s0] =	ssyncset.done @!p0 $0x0  }
0x9e: {  	[sflag:s0] =	ssyncadd.s32 @!p0 $0xFFFFD880  }
0x9f: {  	_ =	sfence.sel $0x180000  }
0xa0: {  	[bflag:$0x0] =	sbarrier.arrive $0xFFFF  }
0xa1: {  	_ =	strace $0x9000004A  }
0xa2: {  	[bflag:$0x2] =	sbarrier.arrive $0xFFFF  }
0xa3: {  	p0 =	sne.s32 s3, $0x0;
	s0 =	rddreg [dreg:$0x2]  }
0xa4: {  	s0 =	sadd.s32 @!p0 $0x100000, s0  }
0xa5: {  	[sflag:s0] =	ssyncadd.tile.s32 @!p0 $0x1;
	_ =	shalt  }
.Lfunc_end2:
_tile_overlayer_lowered:
.L_overlay_start_2:
0xa6: {  	(tag) =	ssettag $0x2  }
0xa7: {  	s0 =	rddreg [dreg:$0x0];
	s2 =	stileid.u32  }
0xa8: {  	s1 =	rddreg [dreg:$0x1];
	p0 =	sne.s32 s2, $0x0  }
0xa9: {  	s3 =	rddreg [dreg:$0x2];
	[bflag:$0x3] =	sbarrier.arrive $0xFFFF;
	s2 =	simm.s32 @!p0 $0x1C04  }
0xaa: {  	[timem:s3], [sflag:s2] =	dma.local @!p0 [hbm:s0], s1  }
0xab: {  	s0 =	simm.s32 @!p0 $0x4  }
0xac: {  	_ =	swait.ge @!p0 [sflag:s0], s1  }
0xad: {  	s1 =	ssub.s32 @!p0 $0x0, s1;
	[sflag:s0] =	ssyncset.done @!p0 $0x0  }
0xae: {  	[sflag:s0] =	ssyncadd.s32 @!p0 s1  }
0xaf: {  	[bflag:$0x3] =	sbarrier.arrive $0xFFFF  }
0xb0: {  	_ =	shalt  }

// kernel: kernel.14.cloned.1.call-start
scs
__scs_entry_jumppad:
0x0: {  	(pc) =	sbr.rel $0x88, $3  }
0x1: {  	(tag) =	ssettag $0x0;
	lr =	simm.s32 $0x1  }
0x2: {  	[smem:$0x3F8C] =	sst lr;
	_ =	strace $0xD0000000  }
0x3: {  	_ = 	snop  }
0x4: {  	_ = 	snop  }
0x5: {  	_ = 	snop  }
0x6: {  	_ = 	snop  }
0x7: {  	_ = 	snop  }
__scs_overlays_trampoline_lowered:
0x8: {  	[smem:$0x3F9B] =	sst s0  }
0x9: {  	[smem:$0x3F9C] =	sst s1  }
0xa: {  	[smem:$0x3F9D] =	sst s2  }
0xb: {  	[smem:$0x3F9E] =	sst s3  }
0xc: {  	[smem:$0x3F9F] =	sst s4  }
0xd: {  	[smem:$0x3FA0] =	sst s5  }
0xe: {  	[smem:$0x3FA1] =	sst s6  }
0xf: {  	[smem:$0x3FA2] =	sst s7  }
0x10: {  	[smem:$0x3FA3] =	sst s8  }
0x11: {  	[smem:$0x3FA4] =	sst s9;
	s0 =	simm.s32 @!p0 $0x0  }
0x12: {  	s1 =	sld [smem:$0x3F8A];
	s0 =	simm.s32 @p0 $0x1  }
0x13: {  	[smem:$0x3FA5] =	sst s0;
	s0 =	simm.s32 @!p1 $0x0  }
0x14: {  	s2 =	sld [smem:$0x3F89];
	s0 =	simm.s32 @p1 $0x1  }
0x15: {  	[smem:$0x3FA6] =	sst s0;
	s0 =	simm.s32 @!p2 $0x0  }
0x16: {  	s3 =	sld [smem:$0x3FDB];
	s0 =	simm.s32 @p2 $0x1  }
0x17: {  	s4 =	simm.s32 $0x1BF5;
	[smem:$0x3FA8] =	sst s0  }
0x18: {  	s0 =	sld [smem:$0x3F8B];
	_ =	swait.ge [sflag:s4], $0x0  }
0x19: {  	s7 =	sld [smem:$0x3F8C]  }
0x1a: {  	s8 =	sadd.s32 $0xFFFFE003, lr  }
0x1b: {  	s9 =	sadd.s32 $0xFFFFFEF7, lr;
	s5 =	simm.s32 $0xFFFFFFFF;
	p2 =	slt.u32 s8, $0xFFFFF086  }
0x1c: {  	p1 =	slt.u32 s9, $0xF7A;
	s5 =	simm.s32 @!p2 $0x0  }
0x1d: {  	s5 =	simm.s32 @p1 $0x1;
	p0 =	seq.s32 s7, s2  }
0x1e: {  	s7 =	smul.u32 @!p0 $0xF7A, s2;
	p2 =	seq.s32 @!p0 s5, $0x0  }
0x1f: {  	s9 =	smul.u32 $0xF7A, s1;
	s8 =	simm.s32 @!p0 $0x1BF5;
	p2 =	por !p2, p0  }
0x20: {  	[sflag:s8] =	ssyncset.s32 @!p0 $0xFFFFF086;
	s6 =	sadd.s32 @!p0 s3, s7;
	s7 =	simm.s32 @!p0 $0x108  }
0x21: {  	s3 =	sadd.s32 s3, s9;
	s6 =	sadd.s32 @!p0 $0x88, s6;
	s7 =	simm.s32 @p2 $0x1082  }
0x22: {  	[simem:s7], [sflag:s8] =	dma.local @!p0 [hbm:s6], $0xF7A  }
0x23: {  	s9 =	sor.u32 $0xD0000000, s2;
	s6 =	simm.s32 $0x108;
	_ =	swait.ge @!p0 [sflag:s8], $0x0  }
0x24: {  	s3 =	sadd.s32 $0x88, s3;
	s6 =	simm.s32 @!p1 $0x1082;
	[sflag:s4] =	ssyncset.s32 $0xFFFFF086  }
0x25: {  	[simem:s6], [sflag:s4] =	dma.local [hbm:s3], $0xF7A  }
0x26: {  	[smem:$0x3F8C] =	sst s1;
	(tag) =	ssettag s2;
	_ =	strace s9  }
0x27: {  	s1 =	sld [smem:$0x3F9C]  }
0x28: {  	s2 =	sld [smem:$0x3F9D]  }
0x29: {  	s4 =	sld [smem:$0x3F9F]  }
0x2a: {  	p0 =	seq.s32 s5, $0x0;
	s5 =	sld [smem:$0x3FA0]  }
0x2b: {  	s6 =	sld [smem:$0x3FA1]  }
0x2c: {  	s7 =	sld [smem:$0x3FA2]  }
0x2d: {  	s3 =	simm.s32 $0x108;
	s8 =	sld [smem:$0x3FA3]  }
0x2e: {  	s3 =	simm.s32 @!p0 $0x1082;
	s9 =	sld [smem:$0x3FA4]  }
0x2f: {  	lr =	sadd.s32 s0, s3;
	s0 =	sld [smem:$0x3F9B]  }
0x30: {  	s3 =	sld [smem:$0x3F9E]  }
0x31: {  	[smem:$0x3FA7] =	sst s10  }
0x32: {  	s10 =	sld [smem:$0x3FA5];
	_ =	sdelay $0x3  }
0x33: {  	p0 =	seq.s32 s10, $0x1;
	s10 =	sld [smem:$0x3FA7];
	_ =	sdelay $0x3  }
0x34: {  	[smem:$0x3FA7] =	sst s10  }
0x35: {  	s10 =	sld [smem:$0x3FA6];
	_ =	sdelay $0x3  }
0x36: {  	p1 =	seq.s32 s10, $0x1;
	s10 =	sld [smem:$0x3FA7];
	_ =	sdelay $0x3  }
0x37: {  	[smem:$0x3FA7] =	sst s10  }
0x38: {  	s10 =	sld [smem:$0x3FA8]  }
0x39: {  	_ = 	snop;
	(pc) =	sbr.ind lr, $3  }
0x3a: {  	_ = 	snop  }
0x3b: {  	_ = 	snop  }
0x3c: {  	p2 =	seq.s32 s10, $0x1;
	s10 =	sld [smem:$0x3FA7]  }
0x3d: {  	_ =	shalt  }
0x3e: {  	_ =	shalt  }
0x3f: {  	_ =	shalt  }
0x40: {  	_ =	shalt  }
0x41: {  	_ =	shalt  }
0x42: {  	_ =	shalt  }
0x43: {  	_ =	shalt  }
0x44: {  	_ =	shalt  }
0x45: {  	_ =	shalt  }
0x46: {  	_ =	shalt  }
0x47: {  	_ =	shalt  }
0x48: {  	_ =	shalt  }
0x49: {  	_ =	shalt  }
0x4a: {  	_ =	shalt  }
0x4b: {  	_ =	shalt  }
0x4c: {  	_ =	shalt  }
0x4d: {  	_ =	shalt  }
0x4e: {  	_ =	shalt  }
0x4f: {  	_ =	shalt  }
0x50: {  	_ =	shalt  }
0x51: {  	_ =	shalt  }
0x52: {  	_ =	shalt  }
0x53: {  	_ =	shalt  }
0x54: {  	_ =	shalt  }
0x55: {  	_ =	shalt  }
0x56: {  	_ =	shalt  }
0x57: {  	_ =	shalt  }
0x58: {  	_ =	shalt  }
0x59: {  	_ =	shalt  }
0x5a: {  	_ =	shalt  }
0x5b: {  	_ =	shalt  }
0x5c: {  	_ =	shalt  }
0x5d: {  	_ =	shalt  }
0x5e: {  	_ =	shalt  }
0x5f: {  	_ =	shalt  }
0x60: {  	_ =	shalt  }
0x61: {  	_ =	shalt  }
0x62: {  	_ =	shalt  }
0x63: {  	_ =	shalt  }
0x64: {  	_ =	shalt  }
0x65: {  	_ =	shalt  }
0x66: {  	_ =	shalt  }
0x67: {  	_ =	shalt  }
0x68: {  	_ =	shalt  }
0x69: {  	_ =	shalt  }
0x6a: {  	_ =	shalt  }
0x6b: {  	_ =	shalt  }
0x6c: {  	_ =	shalt  }
0x6d: {  	_ =	shalt  }
0x6e: {  	_ =	shalt  }
0x6f: {  	_ =	shalt  }
0x70: {  	_ =	shalt  }
0x71: {  	_ =	shalt  }
0x72: {  	_ =	shalt  }
0x73: {  	_ =	shalt  }
0x74: {  	_ =	shalt  }
0x75: {  	_ =	shalt  }
0x76: {  	_ =	shalt  }
0x77: {  	_ =	shalt  }
0x78: {  	_ =	shalt  }
0x79: {  	_ =	shalt  }
0x7a: {  	_ =	shalt  }
0x7b: {  	_ =	shalt  }
0x7c: {  	_ =	shalt  }
0x7d: {  	_ =	shalt  }
0x7e: {  	_ =	shalt  }
0x7f: {  	_ =	shalt  }
0x80: {  	_ =	shalt  }
0x81: {  	_ =	shalt  }
0x82: {  	_ =	shalt  }
0x83: {  	_ =	shalt  }
0x84: {  	_ =	shalt  }
0x85: {  	_ =	shalt  }
0x86: {  	_ =	shalt  }
0x87: {  	_ =	shalt  }
.Lfunc_end0:
.L_simem_size_0:
called_computation.2_lowered:
.L_overlay_start_0:
0x88: {  	s2 =	sld [smem:$0x3FD9]  }
0x89: {  	s3 =	sld [smem:$0x3FFE];
	_ =	sdelay $0x1  }
0x8a: {  	s1 =	srdreg.scid  }
0x8b: {  	s0 =	sand.u32 $0x1, s1  }
0x8c: {  	s16 =	sshll.u32 s0, $0xA;
	s2 =	sadd.s32 s3, s2  }
0x8d: {  	s2 =	sadd.s32 s2, s16  }
0x8e: {  	[smem:$0x3FB3] =	sst s2  }
0x8f: {  	_ = 	snop  }
0x90: {  	(tm) =	ssettm $0x1  }
0x91: {  	s17 =	sld [smem:$0x3FFB];
	_ =	sdelay $0x3  }
0x92: {  	_ =	strace s17  }
0x93: {  	s2 =	sld [smem:$0x3FFC];
	_ =	sdelay $0x3  }
0x94: {  	_ =	strace s2  }
0x95: {  	s2 =	sld [smem:$0x3FFD];
	_ =	sdelay $0x3  }
0x96: {  	_ =	strace s2  }
0x97: {  	_ =	strace $0x8FFFFFFF  }
0x98: {  	s18 =	sld [smem:$0x3FDB];
	_ =	sdelay $0x1  }
0x99: {  	s19 =	simm.s32 $_scs_section_size  }
0x9a: {  	s4 =	simm.s32 $_size__tile_overlayer_lowered;
	s5 =	simm.s32 $_tile_overlayer_lowered  }
0x9b: {  	s22 =	simm.s32 $0x1BFF;
	s21 =	sshll.u32 s5, $0x1;
	s2 =	sadd.s32 s19, s18  }
0x9c: {  	s6 =	simm.s32 $0x0;
	s20 =	sshll.u32 s4, $0x1;
	s4 =	sadd.s32 s21, s2  }
0x9d: {  	[timem:s6], [sflag:s22] =	dma.local [hbm:s4], s20  }
0x9e: {  	_ =	swait.ge [sflag:s22], s20  }
0x9f: {  	s3 =	ssub.s32 $0x0, s20;
	[sflag:s22] =	ssyncset.done $0x0  }
0xa0: {  	[sflag:s22] =	ssyncadd.s32 s3;
	_ =	sdelay $0x1  }
0xa1: {  	s23 =	simm.s32 $0x1B8B  }
0xa2: {  	_ =	swait.ge [sflag:s23], $0x1  }
0xa3: {  	[sflag:s23] =	ssyncset.done $0x0  }
0xa4: {  	s25 =	simm.s32 $0x1B8E;
	s24 =	sld [smem:$0x3FFE];
	[sflag:s23] =	ssyncadd.s32 $0xFFFFFFFF  }
0xa5: {  	s26 =	simm.s32 $execute0_lowered;
	[smem:$0x3FD2] =	sst s25  }
0xa6: {  	s4 =	sshll.u32 s26, $0x1;
	_ =	strace $0x8000004C;
	[dreg:$0x1] =	wrdreg $0xFFFFFFFF  }
0xa7: {  	s28 =	simm.s32 $_size_execute0_lowered;
	s2 =	sadd.s32 s2, s4;
	[dreg:$0x0] =	wrdreg $0x0  }
0xa8: {  	s4 =	sshll.u32 s28, $0x1;
	[dreg:$0x2] =	wrdreg s2  }
0xa9: {  	[dreg:$0x3] =	wrdreg s4  }
0xaa: {  	[dreg:$0x4] =	wrdreg $0xC0  }
0xab: {  	_ =	task [dreg:s6], $0x5FFFF  }
0xac: {  	[dreg:$0x1] =	wrdreg $0xFFFFFFFF  }
0xad: {  	[dreg:$0x0] =	wrdreg $0x60  }
0xae: {  	[dreg:$0x2] =	wrdreg s24  }
0xaf: {  	[dreg:$0x3] =	wrdreg $0xA8000  }
0xb0: {  	[dreg:$0x4] =	wrdreg $0x9  }
0xb1: {  	_ =	task.clear_ibuf [dreg:s6], $0x5FFFF;
	_ =	strace $0x9000004C  }
0xb2: {  	s29 =	simm.s32 $0x9;
	_ =	strace $0x8000004E  }
0xb3: {  	_ =	swait.ge [sflag:s29], $0x1  }
0xb4: {  	[sflag:s29] =	ssyncadd.s32 $0xFFFFFFFF  }
0xb5: {  	_ =	strace $0x9000004E  }
0xb6: {  	_ =	sfence  }
0xb7: {  	s30 =	sld [smem:$0x0];
	_ =	sdelay $0x2  }
0xb8: {  	s31 =	sshll.u32 s1, $0xD;
	s1 =	sshrl.u32 s1, $0x2  }
0xb9: {  	s3 =	sand.u32 $0x4000, s31;
	s1 =	sadd.s32 s1, s30  }
0xba: {  	s0 =	sor.u32 s3, s0;
	s1 =	sshll.u32 s1, $0x11  }
0xbb: {  	s0 =	sor.u32 s1, s0  }
0xbc: {  	s0 =	sadd.s32 $0x8F2B, s0  }
0xbd: {  	[sflag:s0] =	ssyncadd.remote.s32 $0x1  }
0xbe: {  	_ =	sfence.sel $0xFFFF  }
0xbf: {  	[dreg:$0x0] =	wrdreg $0xFFFFFFFF;
	(pc) =	sbr.abs _section_cstart, $3  }
0xc0: {  	[dreg:$0x1] =	wrdreg $0xFFFFFFFF  }
0xc1: {  	_ =	task.clear_ibuf [dreg:s6], $0x2FFFF;
	_ =	strace $0x9FFFFFFF  }
0xc2: {  	(tm) =	ssettm $0x7FFFFFFF  }
0xc3: {  	_ =	shalt  }
tec
execute0_lowered:
.L_overlay_start_1:
0x0: {  	(tag) =	ssettag $0x1  }
0x1: {  	s6 =	rddreg [dreg:$0x0]  }
0x2: {  	s1 =	rddreg [dreg:$0x1]  }
0x3: {  	s2 =	simm.s32 $0x0;
	s5 =	srdreg.scid;
	s3 =	stileid.u32  }
0x4: {  	s18 =	simm.s32 $0x4;
	s19 =	simm.s32 $0x1400;
	s20 =	simm.s32 $0x7D  }
0x5: {  	s21 =	simm.s32 $0x2800;
	s22 =	simm.s32 $0x80;
	s23 =	simm.s32 $0x6800  }
0x6: {  	s28 =	simm.s32 $0x2780;
	s29 =	simm.s32 $0x0;
	[smem:$0x7FF] =	sst s2  }
0x7: {  	s4 =	sadd.s32 $0x18000, s6;
	s12 =	sadd.s32 $0xE000, s6;
	s7 =	smul.u32 $0x4F000, s3  }
0x8: {  	s5 =	sand.u32 $0x1, s5;
	s14 =	sadd.s32 $0x4000, s6;
	s9 =	smul.u32 $0x2780, s3  }
0x9: {  	s10 =	sadd.s32 $0x3F200, s6;
	s15 =	sshll.u32 s3, $0x1;
	s16 =	smul.u32 $0x13C00, s3  }
0xa: {  	s6 =	sadd.s32 $0x3D080, s6;
	p0 =	seq.s32 s3, $0xF;
	_ =	strace $0x8000004D  }
0xb: {  	s8 =	ssub.s32 $0x2, s5;
	s13 =	smul.u32 $0x138800, s5;
	s24 =	sor.u32 s5, s15  }
0xc: {  	s15 =	sadd.s32 $0x128400, s1;
	s11 =	sshrl.u32 s8, $0x1;
	s7 =	sshrl.u32 s7, $0x2  }
0xd: {  	s5 =	sadd.s32 s4, s9;
	s26 =	smul.u32 $0x2800, s24;
	s15 =	sshrl.u32 @p0 s15, $0x3  }
0xe: {  	s24 =	simm.s32 $0x1;
	s11 =	ssub.s32 s8, s11;
	s17 =	sadd.s32 s7, s1  }
0xf: {  	s25 =	sadd.s32 s16, s13;
	s30 =	sshrl.u32 s13, $0x3;
	s13 =	sshll.u32 @!p0 s3, $0x6  }
0x10: {  	s7 =	sshrl.u32 s25, $0x3;
	s8 =	sadd.s32 s10, s30;
	s9 =	smax.u32 s11, $0x1  }
0x11: {  	s31 =	sshrl.u32 s26, $0x3;
	s17 =	sshrl.u32 @!p0 s17, $0x3;
	s25 =	simm.s32 $0x2  }
0x12: {  	s26 =	simm.s32 $0x2700;
	s7 =	sadd.s32 s10, s7;
	s8 =	sadd.s32 $0x25080, s8  }
0x13: {  	s10 =	sadd.s32 s12, s31;
	s16 =	sadd.s32 $0x280, s31;
	s11 =	sadd.s32 s14, s31  }
0x14: {  	s12 =	sadd.s32 s12, s16;
	s14 =	sadd.s32 s14, s16;
	s16 =	sor.u32 @!p0 $0x1C03, s13  }
.LBB2_1:
0x15: {  	s30 =	simm.s32 @p0 $0x1FC3  }
0x16: {  	[spmem:s15], [sflag:s30] =	dma.local @p0 [hbm:s6], $0x2080  }
0x17: {  	[spmem:s17], [sflag:s16] =	dma.local @!p0 [hbm:s5], $0x2780  }
0x18: {  	[tilespmem:s2], [sflag:$0x4] =	stream.linear.gather [hbm4b:s10+s2], $0x1400, $0x38;
	[tilespmem:$0x1E080] =	vst v63  }
0x19: {  	_ =	swait.ge [sflag:s18], $0x1400  }
0x1a: {  	[sflag:s18] =	ssyncset.done $0x0  }
0x1b: {  	[sflag:s18] =	ssyncadd.s32 $0xFFFFEC00  }
0x1c: {  	[tilespmem:s19], [sflag:$0x4] =	stream.linear.gather [hbm4b:s11+s2], $0x1400, $0x38;
	[tilespmem:$0x1E080] =	vst v63  }
0x1d: {  	_ =	swait.ge [sflag:s18], $0x1400  }
0x1e: {  	[sflag:s18] =	ssyncset.done $0x0  }
0x1f: {  	[sflag:s18] =	ssyncadd.s32 $0xFFFFEC00  }
0x20: {  	[tilespmem:s21], [sflag:$0x1] =	stream.indirect.gather [hbm4b:s4+s20], $0x80, s2, s20, $0xb8;
	[tilespmem:$0x1E080] =	vst v63  }
0x21: {  	s30 =	simm.s32 @p0 $0x3  }
0x22: {  	[tilespmem:s23], [sflag:$0x2] =	stream.indirect.gather [hbm4b:s4+s20], $0x80, s22, s20, $0xb8;
	[tilespmem:$0x1E080] =	vst v63  }
0x23: {  	_ =	swait.ge @p0 [sflag:s30], $0x2080  }
0x24: {  	[sflag:s30] =	ssyncset.done @p0 $0x0  }
0x25: {  	[sflag:s30] =	ssyncadd.s32 @p0 $0xFFFFDF80;
	s30 =	simm.s32 @!p0 $0x3  }
0x26: {  	_ =	swait.ge @!p0 [sflag:s30], $0x2780  }
0x27: {  	[sflag:s30] =	ssyncset.done @!p0 $0x0  }
0x28: {  	[sflag:s30] =	ssyncadd.s32 @!p0 $0xFFFFD880  }
0x29: {  	[bflag:$0x0] =	sbarrier.arrive $0xFFFF  }
0x2a: {  	_ =	swait.ge [sflag:s24], $0x3E80  }
0x2b: {  	[sflag:s24] =	ssyncset.done $0x0  }
0x2c: {  	s30 =	simm.s32 $0x1400;
	[sflag:s24] =	ssyncadd.s32 $0xFFFFC180  }
0x2d: {  	[spmem:s1] =	stream.indirect.scatter.add.f32 [tilespmem:s21], [sflag:$0x4], $0x80, s30, s20, $0xb8;
	[tilespmem:$0x1E080] =	vst v63  }
0x2e: {  	_ =	swait.ge [sflag:s18], $0x3E80  }
0x2f: {  	[sflag:s18] =	ssyncset.done $0x0  }
0x30: {  	s30 =	simm.s32 $0x100;
	[sflag:s18] =	ssyncadd.s32 $0xFFFFC180  }
0x31: {  	[tilespmem:s21], [sflag:$0x1] =	stream.indirect.gather [hbm4b:s4+s20], $0x80, s30, s20, $0xb8;
	[tilespmem:$0x1E080] =	vst v63  }
0x32: {  	_ =	swait.ge [sflag:s25], $0x3E80  }
0x33: {  	[sflag:s25] =	ssyncset.done $0x0  }
0x34: {  	s30 =	simm.s32 $0x1480;
	[sflag:s25] =	ssyncadd.s32 $0xFFFFC180  }
0x35: {  	[spmem:s1] =	stream.indirect.scatter.add.f32 [tilespmem:s23], [sflag:$0x4], $0x80, s30, s20, $0xb8;
	[tilespmem:$0x1E080] =	vst v63  }
0x36: {  	_ =	swait.ge [sflag:s18], $0x3E80  }
0x37: {  	[sflag:s18] =	ssyncset.done $0x0  }
0x38: {  	s31 =	simm.s32 $0x180;
	s30 =	simm.s32 $0x400;
	[sflag:s18] =	ssyncadd.s32 $0xFFFFC180  }
.LBB2_2:
0x39: {  	[tilespmem:s23], [sflag:$0x2] =	stream.indirect.gather [hbm4b:s4+s20], $0x80, s31, s20, $0xb8;
	[tilespmem:$0x1E080] =	vst v63  }
0x3a: {  	s31 =	smov.u32 s30  }
0x3b: {  	p1 =	sne.s32 s30, $0x4800;
	s30 =	sadd.s32 $0x400, s30;
	_ =	swait.ge [sflag:s24], $0x3E80  }
0x3c: {  	s31 =	sshra.s32 s31, $0x2;
	[sflag:s24] =	ssyncset.done $0x0  }
0x3d: {  	s0 =	sadd.s32 $0x1400, s31;
	[sflag:s24] =	ssyncadd.s32 $0xFFFFC180  }
0x3e: {  	[spmem:s1] =	stream.indirect.scatter.add.f32 [tilespmem:s21], [sflag:$0x4], $0x80, s0, s20, $0xb8;
	[tilespmem:$0x1E080] =	vst v63  }
0x3f: {  	_ =	swait.ge [sflag:s18], $0x3E80  }
0x40: {  	[sflag:s18] =	ssyncset.done $0x0  }
0x41: {  	s0 =	sadd.s32 $0x100, s31;
	[sflag:s18] =	ssyncadd.s32 $0xFFFFC180  }
0x42: {  	[tilespmem:s21], [sflag:$0x1] =	stream.indirect.gather [hbm4b:s4+s20], $0x80, s0, s20, $0xb8;
	[tilespmem:$0x1E080] =	vst v63  }
0x43: {  	_ =	swait.ge [sflag:s25], $0x3E80  }
0x44: {  	[sflag:s25] =	ssyncset.done $0x0  }
.Ltmp0:
0x45: {  	s0 =	sadd.s32 $0x1480, s31;
	[sflag:s25] =	ssyncadd.s32 $0xFFFFC180;
	(pc) =	sbr.rel @p1 .LBB2_2-.Ltmp0, $4  }
0x46: {  	[spmem:s1] =	stream.indirect.scatter.add.f32 [tilespmem:s23], [sflag:$0x4], $0x80, s0, s20, $0xb8;
	[tilespmem:$0x1E080] =	vst v63  }
0x47: {  	_ =	swait.ge [sflag:s18], $0x3E80  }
0x48: {  	[sflag:s18] =	ssyncset.done $0x0  }
0x49: {  	s31 =	sadd.s32 $0x180, s31;
	[sflag:s18] =	ssyncadd.s32 $0xFFFFC180  }
0x4a: {  	[tilespmem:s23], [sflag:$0x2] =	stream.indirect.gather [hbm4b:s4+s20], $0x80, s31, s20, $0xb8;
	[tilespmem:$0x1E080] =	vst v63  }
0x4b: {  	_ =	swait.ge [sflag:s24], $0x3E80  }
0x4c: {  	[sflag:s24] =	ssyncset.done $0x0  }
0x4d: {  	[sflag:s24] =	ssyncadd.s32 $0xFFFFC180  }
0x4e: {  	[spmem:s1] =	stream.indirect.scatter.add.f32 [tilespmem:s21], [sflag:$0x4], $0x80, s26, s20, $0xb8;
	[tilespmem:$0x1E080] =	vst v63  }
0x4f: {  	_ =	swait.ge [sflag:s18], $0x3E80  }
0x50: {  	[sflag:s18] =	ssyncset.done $0x0  }
0x51: {  	[sflag:s18] =	ssyncadd.s32 $0xFFFFC180  }
0x52: {  	_ =	swait.ge [sflag:s25], $0x3E80  }
0x53: {  	[sflag:s25] =	ssyncset.done $0x0  }
0x54: {  	[sflag:s25] =	ssyncadd.s32 $0xFFFFC180  }
0x55: {  	[spmem:s1] =	stream.indirect.scatter.add.f32 [tilespmem:s23], [sflag:$0x4], $0x80, s28, s20, $0xb8;
	[tilespmem:$0x1E080] =	vst v63  }
0x56: {  	_ =	swait.ge [sflag:s18], $0x3E80  }
0x57: {  	[sflag:s18] =	ssyncset.done $0x0  }
0x58: {  	s0 =	simm.s32 $0x0;
	[sflag:s18] =	ssyncadd.s32 $0xFFFFC180  }
0x59: {  	[tilespmem:s0], [sflag:$0x4] =	stream.linear.gather [hbm4b:s12+s0], $0x1400, $0x38;
	[tilespmem:$0x1E080] =	vst v63  }
0x5a: {  	_ =	swait.ge [sflag:s18], $0x1400  }
0x5b: {  	[sflag:s18] =	ssyncset.done $0x0  }
0x5c: {  	[sflag:s18] =	ssyncadd.s32 $0xFFFFEC00  }
0x5d: {  	[tilespmem:s19], [sflag:$0x4] =	stream.linear.gather [hbm4b:s14+s0], $0x1400, $0x38;
	[tilespmem:$0x1E080] =	vst v63  }
0x5e: {  	_ =	swait.ge [sflag:s18], $0x1400  }
0x5f: {  	[sflag:s18] =	ssyncset.done $0x0  }
0x60: {  	[sflag:s18] =	ssyncadd.s32 $0xFFFFEC00  }
0x61: {  	[tilespmem:s21], [sflag:$0x1] =	stream.indirect.gather [hbm4b:s4+s20], $0x80, s0, s20, $0xb8;
	[tilespmem:$0x1E080] =	vst v63  }
0x62: {  	_ = 	snop  }
0x63: {  	[tilespmem:s23], [sflag:$0x2] =	stream.indirect.gather [hbm4b:s4+s20], $0x80, s22, s20, $0xb8;
	[tilespmem:$0x1E080] =	vst v63  }
0x64: {  	_ =	swait.ge [sflag:s24], $0x3E80  }
0x65: {  	[sflag:s24] =	ssyncset.done $0x0  }
0x66: {  	s0 =	simm.s32 $0x1400;
	[sflag:s24] =	ssyncadd.s32 $0xFFFFC180  }
0x67: {  	[spmem:s1] =	stream.indirect.scatter.add.f32 [tilespmem:s21], [sflag:$0x4], $0x80, s0, s20, $0xb8;
	[tilespmem:$0x1E080] =	vst v63  }
0x68: {  	_ =	swait.ge [sflag:s18], $0x3E80  }
0x69: {  	[sflag:s18] =	ssyncset.done $0x0  }
0x6a: {  	s0 =	simm.s32 $0x100;
	[sflag:s18] =	ssyncadd.s32 $0xFFFFC180  }
0x6b: {  	[tilespmem:s21], [sflag:$0x1] =	stream.indirect.gather [hbm4b:s4+s20], $0x80, s0, s20, $0xb8;
	[tilespmem:$0x1E080] =	vst v63  }
0x6c: {  	_ =	swait.ge [sflag:s25], $0x3E80  }
0x6d: {  	[sflag:s25] =	ssyncset.done $0x0  }
0x6e: {  	s0 =	simm.s32 $0x1480;
	[sflag:s25] =	ssyncadd.s32 $0xFFFFC180  }
0x6f: {  	[spmem:s1] =	stream.indirect.scatter.add.f32 [tilespmem:s23], [sflag:$0x4], $0x80, s0, s20, $0xb8;
	[tilespmem:$0x1E080] =	vst v63  }
0x70: {  	_ =	swait.ge [sflag:s18], $0x3E80  }
0x71: {  	[sflag:s18] =	ssyncset.done $0x0  }
0x72: {  	s30 =	simm.s32 $0x400;
	s31 =	simm.s32 $0x180;
	[sflag:s18] =	ssyncadd.s32 $0xFFFFC180  }
.LBB2_4:
0x73: {  	[tilespmem:s23], [sflag:$0x2] =	stream.indirect.gather [hbm4b:s4+s20], $0x80, s31, s20, $0xb8;
	[tilespmem:$0x1E080] =	vst v63  }
0x74: {  	s0 =	smov.u32 s30  }
0x75: {  	p1 =	sne.s32 s30, $0x4800;
	s30 =	sadd.s32 $0x400, s30;
	_ =	swait.ge [sflag:s24], $0x3E80  }
0x76: {  	s0 =	sshra.s32 s0, $0x2;
	[sflag:s24] =	ssyncset.done $0x0  }
0x77: {  	s31 =	sadd.s32 $0x1400, s0;
	[sflag:s24] =	ssyncadd.s32 $0xFFFFC180  }
0x78: {  	[spmem:s1] =	stream.indirect.scatter.add.f32 [tilespmem:s21], [sflag:$0x4], $0x80, s31, s20, $0xb8;
	[tilespmem:$0x1E080] =	vst v63  }
0x79: {  	_ =	swait.ge [sflag:s18], $0x3E80  }
0x7a: {  	[sflag:s18] =	ssyncset.done $0x0  }
0x7b: {  	s31 =	sadd.s32 $0x100, s0;
	[sflag:s18] =	ssyncadd.s32 $0xFFFFC180  }
0x7c: {  	[tilespmem:s21], [sflag:$0x1] =	stream.indirect.gather [hbm4b:s4+s20], $0x80, s31, s20, $0xb8;
	[tilespmem:$0x1E080] =	vst v63  }
0x7d: {  	_ =	swait.ge [sflag:s25], $0x3E80  }
0x7e: {  	[sflag:s25] =	ssyncset.done $0x0  }
.Ltmp1:
0x7f: {  	s31 =	sadd.s32 $0x1480, s0;
	[sflag:s25] =	ssyncadd.s32 $0xFFFFC180;
	(pc) =	sbr.rel @p1 .LBB2_4-.Ltmp1, $4  }
0x80: {  	[spmem:s1] =	stream.indirect.scatter.add.f32 [tilespmem:s23], [sflag:$0x4], $0x80, s31, s20, $0xb8;
	[tilespmem:$0x1E080] =	vst v63  }
0x81: {  	_ =	swait.ge [sflag:s18], $0x3E80  }
0x82: {  	[sflag:s18] =	ssyncset.done $0x0  }
0x83: {  	s31 =	sadd.s32 $0x180, s0;
	[sflag:s18] =	ssyncadd.s32 $0xFFFFC180  }
0x84: {  	[tilespmem:s23], [sflag:$0x2] =	stream.indirect.gather [hbm4b:s4+s20], $0x80, s31, s20, $0xb8;
	[tilespmem:$0x1E080] =	vst v63  }
0x85: {  	_ =	swait.ge [sflag:s24], $0x3E80  }
0x86: {  	[sflag:s24] =	ssyncset.done $0x0  }
0x87: {  	[sflag:s24] =	ssyncadd.s32 $0xFFFFC180  }
0x88: {  	[spmem:s1] =	stream.indirect.scatter.add.f32 [tilespmem:s21], [sflag:$0x4], $0x80, s26, s20, $0xb8;
	[tilespmem:$0x1E080] =	vst v63  }
0x89: {  	_ =	swait.ge [sflag:s18], $0x3E80  }
0x8a: {  	[sflag:s18] =	ssyncset.done $0x0  }
0x8b: {  	[sflag:s18] =	ssyncadd.s32 $0xFFFFC180  }
0x8c: {  	_ =	swait.ge [sflag:s25], $0x3E80  }
0x8d: {  	[sflag:s25] =	ssyncset.done $0x0  }
0x8e: {  	[sflag:s25] =	ssyncadd.s32 $0xFFFFC180  }
0x8f: {  	[spmem:s1] =	stream.indirect.scatter.add.f32 [tilespmem:s23], [sflag:$0x4], $0x80, s28, s20, $0xb8;
	[tilespmem:$0x1E080] =	vst v63  }
0x90: {  	_ =	swait.ge [sflag:s18], $0x3E80  }
0x91: {  	[sflag:s18] =	ssyncset.done $0x0  }
0x92: {  	[sflag:s18] =	ssyncadd.s32 $0xFFFFC180  }
0x93: {  	s0 =	simm.s32 @p0 $0x1FC4;
	[bflag:$0x0] =	sbarrier.arrive $0xFFFF  }
0x94: {  	[hbm:s8], [sflag:s0] =	dma.local @p0 [spmem:s15], $0x2080  }
0x95: {  	s0 =	simm.s32 @p0 $0x4  }
0x96: {  	_ =	swait.ge @p0 [sflag:s0], $0x2080  }
0x97: {  	s29 =	sadd.s32 $0x1, s29;
	[sflag:s0] =	ssyncset.done @p0 $0x0  }
0x98: {  	p1 =	sne.s32 s29, s9;
	[sflag:s0] =	ssyncadd.s32 @p0 $0xFFFFDF80;
	s0 =	sor.u32 @!p0 $0x1C04, s13  }
0x99: {  	[hbm:s7], [sflag:s0] =	dma.local @!p0 [spmem:s17], $0x2780  }
.Ltmp2:
0x9a: {  	_ = 	snop;
	(pc) =	sbr.rel @p1 .LBB2_1-.Ltmp2, $4  }
0x9b: {  	s0 =	simm.s32 @!p0 $0x4  }
0x9c: {  	_ =	swait.ge @!p0 [sflag:s0], $0x2780  }
0x9d: {  	[sflag:s0] =	ssyncset.done @!p0 $0x0  }
0x9e: {  	[sflag:s0] =	ssyncadd.s32 @!p0 $0xFFFFD880  }
0x9f: {  	_ =	sfence.sel $0x180000  }
0xa0: {  	[bflag:$0x0] =	sbarrier.arrive $0xFFFF  }
0xa1: {  	_ =	strace $0x9000004D  }
0xa2: {  	[bflag:$0x2] =	sbarrier.arrive $0xFFFF  }
0xa3: {  	p0 =	sne.s32 s3, $0x0;
	s0 =	rddreg [dreg:$0x2]  }
0xa4: {  	s0 =	sadd.s32 @!p0 $0x100000, s0  }
0xa5: {  	[sflag:s0] =	ssyncadd.tile.s32 @!p0 $0x1;
	_ =	shalt  }
.Lfunc_end2:
_tile_overlayer_lowered:
.L_overlay_start_2:
0xa6: {  	(tag) =	ssettag $0x2  }
0xa7: {  	s0 =	rddreg [dreg:$0x0];
	s2 =	stileid.u32  }
0xa8: {  	s1 =	rddreg [dreg:$0x1];
	p0 =	sne.s32 s2, $0x0  }
0xa9: {  	s3 =	rddreg [dreg:$0x2];
	[bflag:$0x3] =	sbarrier.arrive $0xFFFF;
	s2 =	simm.s32 @!p0 $0x1C04  }
0xaa: {  	[timem:s3], [sflag:s2] =	dma.local @!p0 [hbm:s0], s1  }
0xab: {  	s0 =	simm.s32 @!p0 $0x4  }
0xac: {  	_ =	swait.ge @!p0 [sflag:s0], s1  }
0xad: {  	s1 =	ssub.s32 @!p0 $0x0, s1;
	[sflag:s0] =	ssyncset.done @!p0 $0x0  }
0xae: {  	[sflag:s0] =	ssyncadd.s32 @!p0 s1  }
0xaf: {  	[bflag:$0x3] =	sbarrier.arrive $0xFFFF  }
0xb0: {  	_ =	shalt  }

// kernel: kernel.8.cloned.1.call-start
scs
__scs_entry_jumppad:
0x0: {  	(pc) =	sbr.rel $0x88, $3  }
0x1: {  	(tag) =	ssettag $0x0;
	lr =	simm.s32 $0x1  }
0x2: {  	[smem:$0x3F8C] =	sst lr;
	_ =	strace $0xD0000000  }
0x3: {  	_ = 	snop  }
0x4: {  	_ = 	snop  }
0x5: {  	_ = 	snop  }
0x6: {  	_ = 	snop  }
0x7: {  	_ = 	snop  }
__scs_overlays_trampoline_lowered:
0x8: {  	[smem:$0x3F9B] =	sst s0  }
0x9: {  	[smem:$0x3F9C] =	sst s1  }
0xa: {  	[smem:$0x3F9D] =	sst s2  }
0xb: {  	[smem:$0x3F9E] =	sst s3  }
0xc: {  	[smem:$0x3F9F] =	sst s4  }
0xd: {  	[smem:$0x3FA0] =	sst s5  }
0xe: {  	[smem:$0x3FA1] =	sst s6  }
0xf: {  	[smem:$0x3FA2] =	sst s7  }
0x10: {  	[smem:$0x3FA3] =	sst s8  }
0x11: {  	[smem:$0x3FA4] =	sst s9;
	s0 =	simm.s32 @!p0 $0x0  }
0x12: {  	s1 =	sld [smem:$0x3F8A];
	s0 =	simm.s32 @p0 $0x1  }
0x13: {  	[smem:$0x3FA5] =	sst s0;
	s0 =	simm.s32 @!p1 $0x0  }
0x14: {  	s2 =	sld [smem:$0x3F89];
	s0 =	simm.s32 @p1 $0x1  }
0x15: {  	[smem:$0x3FA6] =	sst s0;
	s0 =	simm.s32 @!p2 $0x0  }
0x16: {  	s3 =	sld [smem:$0x3FDB];
	s0 =	simm.s32 @p2 $0x1  }
0x17: {  	s4 =	simm.s32 $0x1BF5;
	[smem:$0x3FA8] =	sst s0  }
0x18: {  	s0 =	sld [smem:$0x3F8B];
	_ =	swait.ge [sflag:s4], $0x0  }
0x19: {  	s7 =	sld [smem:$0x3F8C]  }
0x1a: {  	s8 =	sadd.s32 $0xFFFFE003, lr  }
0x1b: {  	s9 =	sadd.s32 $0xFFFFFEF7, lr;
	s5 =	simm.s32 $0xFFFFFFFF;
	p2 =	slt.u32 s8, $0xFFFFF086  }
0x1c: {  	p1 =	slt.u32 s9, $0xF7A;
	s5 =	simm.s32 @!p2 $0x0  }
0x1d: {  	s5 =	simm.s32 @p1 $0x1;
	p0 =	seq.s32 s7, s2  }
0x1e: {  	s7 =	smul.u32 @!p0 $0xF7A, s2;
	p2 =	seq.s32 @!p0 s5, $0x0  }
0x1f: {  	s9 =	smul.u32 $0xF7A, s1;
	s8 =	simm.s32 @!p0 $0x1BF5;
	p2 =	por !p2, p0  }
0x20: {  	[sflag:s8] =	ssyncset.s32 @!p0 $0xFFFFF086;
	s6 =	sadd.s32 @!p0 s3, s7;
	s7 =	simm.s32 @!p0 $0x108  }
0x21: {  	s3 =	sadd.s32 s3, s9;
	s6 =	sadd.s32 @!p0 $0x88, s6;
	s7 =	simm.s32 @p2 $0x1082  }
0x22: {  	[simem:s7], [sflag:s8] =	dma.local @!p0 [hbm:s6], $0xF7A  }
0x23: {  	s9 =	sor.u32 $0xD0000000, s2;
	s6 =	simm.s32 $0x108;
	_ =	swait.ge @!p0 [sflag:s8], $0x0  }
0x24: {  	s3 =	sadd.s32 $0x88, s3;
	s6 =	simm.s32 @!p1 $0x1082;
	[sflag:s4] =	ssyncset.s32 $0xFFFFF086  }
0x25: {  	[simem:s6], [sflag:s4] =	dma.local [hbm:s3], $0xF7A  }
0x26: {  	[smem:$0x3F8C] =	sst s1;
	(tag) =	ssettag s2;
	_ =	strace s9  }
0x27: {  	s1 =	sld [smem:$0x3F9C]  }
0x28: {  	s2 =	sld [smem:$0x3F9D]  }
0x29: {  	s4 =	sld [smem:$0x3F9F]  }
0x2a: {  	p0 =	seq.s32 s5, $0x0;
	s5 =	sld [smem:$0x3FA0]  }
0x2b: {  	s6 =	sld [smem:$0x3FA1]  }
0x2c: {  	s7 =	sld [smem:$0x3FA2]  }
0x2d: {  	s3 =	simm.s32 $0x108;
	s8 =	sld [smem:$0x3FA3]  }
0x2e: {  	s3 =	simm.s32 @!p0 $0x1082;
	s9 =	sld [smem:$0x3FA4]  }
0x2f: {  	lr =	sadd.s32 s0, s3;
	s0 =	sld [smem:$0x3F9B]  }
0x30: {  	s3 =	sld [smem:$0x3F9E]  }
0x31: {  	[smem:$0x3FA7] =	sst s10  }
0x32: {  	s10 =	sld [smem:$0x3FA5];
	_ =	sdelay $0x3  }
0x33: {  	p0 =	seq.s32 s10, $0x1;
	s10 =	sld [smem:$0x3FA7];
	_ =	sdelay $0x3  }
0x34: {  	[smem:$0x3FA7] =	sst s10  }
0x35: {  	s10 =	sld [smem:$0x3FA6];
	_ =	sdelay $0x3  }
0x36: {  	p1 =	seq.s32 s10, $0x1;
	s10 =	sld [smem:$0x3FA7];
	_ =	sdelay $0x3  }
0x37: {  	[smem:$0x3FA7] =	sst s10  }
0x38: {  	s10 =	sld [smem:$0x3FA8]  }
0x39: {  	_ = 	snop;
	(pc) =	sbr.ind lr, $3  }
0x3a: {  	_ = 	snop  }
0x3b: {  	_ = 	snop  }
0x3c: {  	p2 =	seq.s32 s10, $0x1;
	s10 =	sld [smem:$0x3FA7]  }
0x3d: {  	_ =	shalt  }
0x3e: {  	_ =	shalt  }
0x3f: {  	_ =	shalt  }
0x40: {  	_ =	shalt  }
0x41: {  	_ =	shalt  }
0x42: {  	_ =	shalt  }
0x43: {  	_ =	shalt  }
0x44: {  	_ =	shalt  }
0x45: {  	_ =	shalt  }
0x46: {  	_ =	shalt  }
0x47: {  	_ =	shalt  }
0x48: {  	_ =	shalt  }
0x49: {  	_ =	shalt  }
0x4a: {  	_ =	shalt  }
0x4b: {  	_ =	shalt  }
0x4c: {  	_ =	shalt  }
0x4d: {  	_ =	shalt  }
0x4e: {  	_ =	shalt  }
0x4f: {  	_ =	shalt  }
0x50: {  	_ =	shalt  }
0x51: {  	_ =	shalt  }
0x52: {  	_ =	shalt  }
0x53: {  	_ =	shalt  }
0x54: {  	_ =	shalt  }
0x55: {  	_ =	shalt  }
0x56: {  	_ =	shalt  }
0x57: {  	_ =	shalt  }
0x58: {  	_ =	shalt  }
0x59: {  	_ =	shalt  }
0x5a: {  	_ =	shalt  }
0x5b: {  	_ =	shalt  }
0x5c: {  	_ =	shalt  }
0x5d: {  	_ =	shalt  }
0x5e: {  	_ =	shalt  }
0x5f: {  	_ =	shalt  }
0x60: {  	_ =	shalt  }
0x61: {  	_ =	shalt  }
0x62: {  	_ =	shalt  }
0x63: {  	_ =	shalt  }
0x64: {  	_ =	shalt  }
0x65: {  	_ =	shalt  }
0x66: {  	_ =	shalt  }
0x67: {  	_ =	shalt  }
0x68: {  	_ =	shalt  }
0x69: {  	_ =	shalt  }
0x6a: {  	_ =	shalt  }
0x6b: {  	_ =	shalt  }
0x6c: {  	_ =	shalt  }
0x6d: {  	_ =	shalt  }
0x6e: {  	_ =	shalt  }
0x6f: {  	_ =	shalt  }
0x70: {  	_ =	shalt  }
0x71: {  	_ =	shalt  }
0x72: {  	_ =	shalt  }
0x73: {  	_ =	shalt  }
0x74: {  	_ =	shalt  }
0x75: {  	_ =	shalt  }
0x76: {  	_ =	shalt  }
0x77: {  	_ =	shalt  }
0x78: {  	_ =	shalt  }
0x79: {  	_ =	shalt  }
0x7a: {  	_ =	shalt  }
0x7b: {  	_ =	shalt  }
0x7c: {  	_ =	shalt  }
0x7d: {  	_ =	shalt  }
0x7e: {  	_ =	shalt  }
0x7f: {  	_ =	shalt  }
0x80: {  	_ =	shalt  }
0x81: {  	_ =	shalt  }
0x82: {  	_ =	shalt  }
0x83: {  	_ =	shalt  }
0x84: {  	_ =	shalt  }
0x85: {  	_ =	shalt  }
0x86: {  	_ =	shalt  }
0x87: {  	_ =	shalt  }
.Lfunc_end0:
.L_simem_size_0:
called_computation_lowered:
.L_overlay_start_0:
0x88: {  	s2 =	sld [smem:$0x3FD9]  }
0x89: {  	s3 =	sld [smem:$0x3FFE];
	_ =	sdelay $0x1  }
0x8a: {  	s1 =	srdreg.scid  }
0x8b: {  	s0 =	sand.u32 $0x1, s1  }
0x8c: {  	s17 =	sshll.u32 s0, $0xA;
	s2 =	sadd.s32 s3, s2  }
0x8d: {  	s2 =	sadd.s32 s2, s17  }
0x8e: {  	[smem:$0x3FB3] =	sst s2  }
0x8f: {  	_ = 	snop  }
0x90: {  	s2 =	sld [smem:$0x3FC9];
	(tm) =	ssettm $0x1  }
0x91: {  	s18 =	sld [smem:$0x3FFB];
	_ =	sdelay $0x3  }
0x92: {  	_ =	strace s18  }
0x93: {  	s3 =	sld [smem:$0x3FFC];
	_ =	sdelay $0x3  }
0x94: {  	_ =	strace s3  }
0x95: {  	s3 =	sld [smem:$0x3FFD];
	_ =	sdelay $0x3  }
0x96: {  	_ =	strace s3  }
0x97: {  	_ =	strace $0x8FFFFFFF  }
0x98: {  	s19 =	sld [smem:$0x3FDB];
	_ =	sdelay $0x1  }
0x99: {  	s4 =	simm.s32 $_scs_section_size  }
0x9a: {  	s5 =	simm.s32 $_size__tile_overlayer_lowered;
	s6 =	simm.s32 $_tile_overlayer_lowered  }
0x9b: {  	s22 =	simm.s32 $0x1BFF;
	s21 =	sshll.u32 s6, $0x1;
	s3 =	sadd.s32 s4, s19  }
0x9c: {  	s7 =	simm.s32 $0x0;
	s20 =	sshll.u32 s5, $0x1;
	s5 =	sadd.s32 s21, s3  }
0x9d: {  	[timem:s7], [sflag:s22] =	dma.local [hbm:s5], s20  }
0x9e: {  	_ =	swait.ge [sflag:s22], s20  }
0x9f: {  	s4 =	ssub.s32 $0x0, s20;
	[sflag:s22] =	ssyncset.done $0x0  }
0xa0: {  	[sflag:s22] =	ssyncadd.s32 s4;
	_ =	sdelay $0x1  }
0xa1: {  	s23 =	simm.s32 $0x1B8B  }
0xa2: {  	_ =	swait.ge [sflag:s23], $0x1  }
0xa3: {  	[sflag:s23] =	ssyncset.done $0x0  }
0xa4: {  	s25 =	simm.s32 $0x1B8E;
	s24 =	sld [smem:$0x3FFE];
	[sflag:s23] =	ssyncadd.s32 $0xFFFFFFFF  }
0xa5: {  	s26 =	simm.s32 $execute0_lowered;
	[smem:$0x3FD2] =	sst s25  }
0xa6: {  	s5 =	sshll.u32 s26, $0x1;
	_ =	strace $0x80000046;
	[dreg:$0x1] =	wrdreg $0xFFFFFFFF  }
0xa7: {  	s28 =	simm.s32 $_size_execute0_lowered;
	s3 =	sadd.s32 s3, s5;
	[dreg:$0x0] =	wrdreg $0x0  }
0xa8: {  	s5 =	sshll.u32 s28, $0x1;
	[dreg:$0x2] =	wrdreg s3  }
0xa9: {  	[dreg:$0x3] =	wrdreg s5  }
0xaa: {  	[dreg:$0x4] =	wrdreg $0xC0  }
0xab: {  	_ =	task [dreg:s7], $0x5FFFF  }
0xac: {  	[dreg:$0x1] =	wrdreg $0xFFFFFFFF  }
0xad: {  	[dreg:$0x0] =	wrdreg $0x60  }
0xae: {  	[dreg:$0x2] =	wrdreg s2  }
0xaf: {  	[dreg:$0x3] =	wrdreg s24  }
0xb0: {  	[dreg:$0x4] =	wrdreg $0xA8000  }
0xb1: {  	[dreg:$0x5] =	wrdreg $0x9  }
0xb2: {  	_ =	task.clear_ibuf [dreg:s7], $0x6FFFF;
	_ =	strace $0x90000046  }
0xb3: {  	s29 =	simm.s32 $0x9;
	_ =	strace $0x80000048  }
0xb4: {  	_ =	swait.ge [sflag:s29], $0x1  }
0xb5: {  	[sflag:s29] =	ssyncadd.s32 $0xFFFFFFFF  }
0xb6: {  	_ =	strace $0x90000048  }
0xb7: {  	_ =	sfence  }
0xb8: {  	s30 =	sld [smem:$0x0];
	_ =	sdelay $0x2  }
0xb9: {  	s31 =	sshll.u32 s1, $0xD;
	s1 =	sshrl.u32 s1, $0x2  }
0xba: {  	s3 =	sand.u32 $0x4000, s31;
	s1 =	sadd.s32 s1, s30  }
0xbb: {  	s0 =	sor.u32 s3, s0;
	s1 =	sshll.u32 s1, $0x11  }
0xbc: {  	s0 =	sor.u32 s1, s0  }
0xbd: {  	s0 =	sadd.s32 $0x8F2B, s0  }
0xbe: {  	[sflag:s0] =	ssyncadd.remote.s32 $0x1  }
0xbf: {  	_ =	sfence.sel $0xFFFF  }
0xc0: {  	[dreg:$0x0] =	wrdreg $0xFFFFFFFF;
	(pc) =	sbr.abs _section_cstart, $3  }
0xc1: {  	[dreg:$0x1] =	wrdreg $0xFFFFFFFF  }
0xc2: {  	_ =	task.clear_ibuf [dreg:s7], $0x2FFFF;
	_ =	strace $0x9FFFFFFF  }
0xc3: {  	(tm) =	ssettm $0x7FFFFFFF  }
tec
execute0_lowered:
.L_overlay_start_1:
0x0: {  	(tag) =	ssettag $0x1  }
0x1: {  	s1 =	rddreg [dreg:$0x0]  }
0x2: {  	s5 =	rddreg [dreg:$0x1]  }
0x3: {  	s2 =	rddreg [dreg:$0x2];
	s4 =	simm.s32 $0x0;
	s6 =	srdreg.scid  }
0x4: {  	s3 =	stileid.u32;
	s19 =	simm.s32 $0x1400;
	s20 =	simm.s32 $0x7D  }
0x5: {  	s21 =	simm.s32 $0x2800;
	s22 =	simm.s32 $0x80;
	s23 =	simm.s32 $0x6800  }
0x6: {  	s28 =	simm.s32 $0x2780;
	s29 =	simm.s32 $0x0;
	[smem:$0x7FF] =	sst s4  }
0x7: {  	s12 =	sadd.s32 $0xE000, s5;
	s6 =	sand.u32 $0x1, s6;
	s7 =	smul.u32 $0x4F000, s3  }
0x8: {  	s14 =	sadd.s32 $0x4000, s5;
	s9 =	smul.u32 $0x2780, s3;
	s10 =	sadd.s32 $0x18000, s5  }
0x9: {  	s13 =	sshll.u32 s3, $0x1;
	s15 =	smul.u32 $0x13C00, s3;
	s18 =	sadd.s32 $0x128400, s2  }
0xa: {  	p0 =	seq.s32 s3, $0xF;
	_ =	strace $0x80000047;
	s8 =	ssub.s32 $0x2, s6  }
0xb: {  	s11 =	smul.u32 $0x138800, s6;
	s6 =	sor.u32 s6, s13;
	s24 =	sshrl.u32 s8, $0x1  }
0xc: {  	s7 =	sshrl.u32 s7, $0x2;
	s5 =	sadd.s32 s1, s9;
	s13 =	smul.u32 $0x2800, s6  }
0xd: {  	s6 =	sadd.s32 $0x25080, s1;
	s16 =	ssub.s32 s8, s24;
	s17 =	sadd.s32 s7, s2  }
0xe: {  	s25 =	sadd.s32 s15, s11;
	s26 =	sshrl.u32 s11, $0x3;
	s15 =	sshrl.u32 @p0 s18, $0x3  }
0xf: {  	s18 =	simm.s32 $0x4;
	s24 =	simm.s32 $0x1;
	s7 =	sshrl.u32 s25, $0x3  }
0x10: {  	s8 =	sadd.s32 s10, s26;
	s9 =	smax.u32 s16, $0x1;
	s30 =	sshrl.u32 s13, $0x3  }
0x11: {  	s13 =	sshll.u32 @!p0 s3, $0x6;
	s17 =	sshrl.u32 @!p0 s17, $0x3;
	s25 =	simm.s32 $0x2  }
0x12: {  	s26 =	simm.s32 $0x2700;
	s7 =	sadd.s32 s10, s7;
	s8 =	sadd.s32 $0x25080, s8  }
0x13: {  	s10 =	sadd.s32 s12, s30;
	s31 =	sadd.s32 $0x280, s30;
	s11 =	sadd.s32 s14, s30  }
0x14: {  	s16 =	sor.u32 @!p0 $0x1C03, s13;
	s12 =	sadd.s32 s12, s31;
	s14 =	sadd.s32 s14, s31  }
.LBB2_1:
0x15: {  	s30 =	simm.s32 @p0 $0x1FC3  }
0x16: {  	[spmem:s15], [sflag:s30] =	dma.local @p0 [hbm:s6], $0x2080  }
0x17: {  	[spmem:s17], [sflag:s16] =	dma.local @!p0 [hbm:s5], $0x2780  }
0x18: {  	[tilespmem:s4], [sflag:$0x4] =	stream.linear.gather [hbm4b:s10+s4], $0x1400, $0x38;
	[tilespmem:$0x1E080] =	vst v63  }
0x19: {  	_ =	swait.ge [sflag:s18], $0x1400  }
0x1a: {  	[sflag:s18] =	ssyncset.done $0x0  }
0x1b: {  	[sflag:s18] =	ssyncadd.s32 $0xFFFFEC00  }
0x1c: {  	[tilespmem:s19], [sflag:$0x4] =	stream.linear.gather [hbm4b:s11+s4], $0x1400, $0x38;
	[tilespmem:$0x1E080] =	vst v63  }
0x1d: {  	_ =	swait.ge [sflag:s18], $0x1400  }
0x1e: {  	[sflag:s18] =	ssyncset.done $0x0  }
0x1f: {  	[sflag:s18] =	ssyncadd.s32 $0xFFFFEC00  }
0x20: {  	[tilespmem:s21], [sflag:$0x1] =	stream.indirect.gather [hbm4b:s1+s20], $0x80, s4, s20, $0xb8;
	[tilespmem:$0x1E080] =	vst v63  }
0x21: {  	s30 =	simm.s32 @p0 $0x3  }
0x22: {  	[tilespmem:s23], [sflag:$0x2] =	stream.indirect.gather [hbm4b:s1+s20], $0x80, s22, s20, $0xb8;
	[tilespmem:$0x1E080] =	vst v63  }
0x23: {  	_ =	swait.ge @p0 [sflag:s30], $0x2080  }
0x24: {  	[sflag:s30] =	ssyncset.done @p0 $0x0  }
0x25: {  	[sflag:s30] =	ssyncadd.s32 @p0 $0xFFFFDF80;
	s30 =	simm.s32 @!p0 $0x3  }
0x26: {  	_ =	swait.ge @!p0 [sflag:s30], $0x2780  }
0x27: {  	[sflag:s30] =	ssyncset.done @!p0 $0x0  }
0x28: {  	[sflag:s30] =	ssyncadd.s32 @!p0 $0xFFFFD880  }
0x29: {  	[bflag:$0x0] =	sbarrier.arrive $0xFFFF  }
0x2a: {  	_ =	swait.ge [sflag:s24], $0x3E80  }
0x2b: {  	[sflag:s24] =	ssyncset.done $0x0  }
0x2c: {  	s30 =	simm.s32 $0x1400;
	[sflag:s24] =	ssyncadd.s32 $0xFFFFC180  }
0x2d: {  	[spmem:s2] =	stream.indirect.scatter.add.f32 [tilespmem:s21], [sflag:$0x4], $0x80, s30, s20, $0xb8;
	[tilespmem:$0x1E080] =	vst v63  }
0x2e: {  	_ =	swait.ge [sflag:s18], $0x3E80  }
0x2f: {  	[sflag:s18] =	ssyncset.done $0x0  }
0x30: {  	s30 =	simm.s32 $0x100;
	[sflag:s18] =	ssyncadd.s32 $0xFFFFC180  }
0x31: {  	[tilespmem:s21], [sflag:$0x1] =	stream.indirect.gather [hbm4b:s1+s20], $0x80, s30, s20, $0xb8;
	[tilespmem:$0x1E080] =	vst v63  }
0x32: {  	_ =	swait.ge [sflag:s25], $0x3E80  }
0x33: {  	[sflag:s25] =	ssyncset.done $0x0  }
0x34: {  	s30 =	simm.s32 $0x1480;
	[sflag:s25] =	ssyncadd.s32 $0xFFFFC180  }
0x35: {  	[spmem:s2] =	stream.indirect.scatter.add.f32 [tilespmem:s23], [sflag:$0x4], $0x80, s30, s20, $0xb8;
	[tilespmem:$0x1E080] =	vst v63  }
0x36: {  	_ =	swait.ge [sflag:s18], $0x3E80  }
0x37: {  	[sflag:s18] =	ssyncset.done $0x0  }
0x38: {  	s31 =	simm.s32 $0x180;
	s30 =	simm.s32 $0x400;
	[sflag:s18] =	ssyncadd.s32 $0xFFFFC180  }
.LBB2_2:
0x39: {  	[tilespmem:s23], [sflag:$0x2] =	stream.indirect.gather [hbm4b:s1+s20], $0x80, s31, s20, $0xb8;
	[tilespmem:$0x1E080] =	vst v63  }
0x3a: {  	s31 =	smov.u32 s30  }
0x3b: {  	p1 =	sne.s32 s30, $0x4800;
	s30 =	sadd.s32 $0x400, s30;
	_ =	swait.ge [sflag:s24], $0x3E80  }
0x3c: {  	s31 =	sshra.s32 s31, $0x2;
	[sflag:s24] =	ssyncset.done $0x0  }
0x3d: {  	s0 =	sadd.s32 $0x1400, s31;
	[sflag:s24] =	ssyncadd.s32 $0xFFFFC180  }
0x3e: {  	[spmem:s2] =	stream.indirect.scatter.add.f32 [tilespmem:s21], [sflag:$0x4], $0x80, s0, s20, $0xb8;
	[tilespmem:$0x1E080] =	vst v63  }
0x3f: {  	_ =	swait.ge [sflag:s18], $0x3E80  }
0x40: {  	[sflag:s18] =	ssyncset.done $0x0  }
0x41: {  	s0 =	sadd.s32 $0x100, s31;
	[sflag:s18] =	ssyncadd.s32 $0xFFFFC180  }
0x42: {  	[tilespmem:s21], [sflag:$0x1] =	stream.indirect.gather [hbm4b:s1+s20], $0x80, s0, s20, $0xb8;
	[tilespmem:$0x1E080] =	vst v63  }
0x43: {  	_ =	swait.ge [sflag:s25], $0x3E80  }
0x44: {  	[sflag:s25] =	ssyncset.done $0x0  }
.Ltmp0:
0x45: {  	s0 =	sadd.s32 $0x1480, s31;
	[sflag:s25] =	ssyncadd.s32 $0xFFFFC180;
	(pc) =	sbr.rel @p1 .LBB2_2-.Ltmp0, $4  }
0x46: {  	[spmem:s2] =	stream.indirect.scatter.add.f32 [tilespmem:s23], [sflag:$0x4], $0x80, s0, s20, $0xb8;
	[tilespmem:$0x1E080] =	vst v63  }
0x47: {  	_ =	swait.ge [sflag:s18], $0x3E80  }
0x48: {  	[sflag:s18] =	ssyncset.done $0x0  }
0x49: {  	s31 =	sadd.s32 $0x180, s31;
	[sflag:s18] =	ssyncadd.s32 $0xFFFFC180  }
0x4a: {  	[tilespmem:s23], [sflag:$0x2] =	stream.indirect.gather [hbm4b:s1+s20], $0x80, s31, s20, $0xb8;
	[tilespmem:$0x1E080] =	vst v63  }
0x4b: {  	_ =	swait.ge [sflag:s24], $0x3E80  }
0x4c: {  	[sflag:s24] =	ssyncset.done $0x0  }
0x4d: {  	[sflag:s24] =	ssyncadd.s32 $0xFFFFC180  }
0x4e: {  	[spmem:s2] =	stream.indirect.scatter.add.f32 [tilespmem:s21], [sflag:$0x4], $0x80, s26, s20, $0xb8;
	[tilespmem:$0x1E080] =	vst v63  }
0x4f: {  	_ =	swait.ge [sflag:s18], $0x3E80  }
0x50: {  	[sflag:s18] =	ssyncset.done $0x0  }
0x51: {  	[sflag:s18] =	ssyncadd.s32 $0xFFFFC180  }
0x52: {  	_ =	swait.ge [sflag:s25], $0x3E80  }
0x53: {  	[sflag:s25] =	ssyncset.done $0x0  }
0x54: {  	[sflag:s25] =	ssyncadd.s32 $0xFFFFC180  }
0x55: {  	[spmem:s2] =	stream.indirect.scatter.add.f32 [tilespmem:s23], [sflag:$0x4], $0x80, s28, s20, $0xb8;
	[tilespmem:$0x1E080] =	vst v63  }
0x56: {  	_ =	swait.ge [sflag:s18], $0x3E80  }
0x57: {  	[sflag:s18] =	ssyncset.done $0x0  }
0x58: {  	s0 =	simm.s32 $0x0;
	[sflag:s18] =	ssyncadd.s32 $0xFFFFC180  }
0x59: {  	[tilespmem:s0], [sflag:$0x4] =	stream.linear.gather [hbm4b:s12+s0], $0x1400, $0x38;
	[tilespmem:$0x1E080] =	vst v63  }
0x5a: {  	_ =	swait.ge [sflag:s18], $0x1400  }
0x5b: {  	[sflag:s18] =	ssyncset.done $0x0  }
0x5c: {  	[sflag:s18] =	ssyncadd.s32 $0xFFFFEC00  }
0x5d: {  	[tilespmem:s19], [sflag:$0x4] =	stream.linear.gather [hbm4b:s14+s0], $0x1400, $0x38;
	[tilespmem:$0x1E080] =	vst v63  }
0x5e: {  	_ =	swait.ge [sflag:s18], $0x1400  }
0x5f: {  	[sflag:s18] =	ssyncset.done $0x0  }
0x60: {  	[sflag:s18] =	ssyncadd.s32 $0xFFFFEC00  }
0x61: {  	[tilespmem:s21], [sflag:$0x1] =	stream.indirect.gather [hbm4b:s1+s20], $0x80, s0, s20, $0xb8;
	[tilespmem:$0x1E080] =	vst v63  }
0x62: {  	_ = 	snop  }
0x63: {  	[tilespmem:s23], [sflag:$0x2] =	stream.indirect.gather [hbm4b:s1+s20], $0x80, s22, s20, $0xb8;
	[tilespmem:$0x1E080] =	vst v63  }
0x64: {  	_ =	swait.ge [sflag:s24], $0x3E80  }
0x65: {  	[sflag:s24] =	ssyncset.done $0x0  }
0x66: {  	s0 =	simm.s32 $0x1400;
	[sflag:s24] =	ssyncadd.s32 $0xFFFFC180  }
0x67: {  	[spmem:s2] =	stream.indirect.scatter.add.f32 [tilespmem:s21], [sflag:$0x4], $0x80, s0, s20, $0xb8;
	[tilespmem:$0x1E080] =	vst v63  }
0x68: {  	_ =	swait.ge [sflag:s18], $0x3E80  }
0x69: {  	[sflag:s18] =	ssyncset.done $0x0  }
0x6a: {  	s0 =	simm.s32 $0x100;
	[sflag:s18] =	ssyncadd.s32 $0xFFFFC180  }
0x6b: {  	[tilespmem:s21], [sflag:$0x1] =	stream.indirect.gather [hbm4b:s1+s20], $0x80, s0, s20, $0xb8;
	[tilespmem:$0x1E080] =	vst v63  }
0x6c: {  	_ =	swait.ge [sflag:s25], $0x3E80  }
0x6d: {  	[sflag:s25] =	ssyncset.done $0x0  }
0x6e: {  	s0 =	simm.s32 $0x1480;
	[sflag:s25] =	ssyncadd.s32 $0xFFFFC180  }
0x6f: {  	[spmem:s2] =	stream.indirect.scatter.add.f32 [tilespmem:s23], [sflag:$0x4], $0x80, s0, s20, $0xb8;
	[tilespmem:$0x1E080] =	vst v63  }
0x70: {  	_ =	swait.ge [sflag:s18], $0x3E80  }
0x71: {  	[sflag:s18] =	ssyncset.done $0x0  }
0x72: {  	s30 =	simm.s32 $0x400;
	s31 =	simm.s32 $0x180;
	[sflag:s18] =	ssyncadd.s32 $0xFFFFC180  }
.LBB2_4:
0x73: {  	[tilespmem:s23], [sflag:$0x2] =	stream.indirect.gather [hbm4b:s1+s20], $0x80, s31, s20, $0xb8;
	[tilespmem:$0x1E080] =	vst v63  }
0x74: {  	s0 =	smov.u32 s30  }
0x75: {  	p1 =	sne.s32 s30, $0x4800;
	s30 =	sadd.s32 $0x400, s30;
	_ =	swait.ge [sflag:s24], $0x3E80  }
0x76: {  	s0 =	sshra.s32 s0, $0x2;
	[sflag:s24] =	ssyncset.done $0x0  }
0x77: {  	s31 =	sadd.s32 $0x1400, s0;
	[sflag:s24] =	ssyncadd.s32 $0xFFFFC180  }
0x78: {  	[spmem:s2] =	stream.indirect.scatter.add.f32 [tilespmem:s21], [sflag:$0x4], $0x80, s31, s20, $0xb8;
	[tilespmem:$0x1E080] =	vst v63  }
0x79: {  	_ =	swait.ge [sflag:s18], $0x3E80  }
0x7a: {  	[sflag:s18] =	ssyncset.done $0x0  }
0x7b: {  	s31 =	sadd.s32 $0x100, s0;
	[sflag:s18] =	ssyncadd.s32 $0xFFFFC180  }
0x7c: {  	[tilespmem:s21], [sflag:$0x1] =	stream.indirect.gather [hbm4b:s1+s20], $0x80, s31, s20, $0xb8;
	[tilespmem:$0x1E080] =	vst v63  }
0x7d: {  	_ =	swait.ge [sflag:s25], $0x3E80  }
0x7e: {  	[sflag:s25] =	ssyncset.done $0x0  }
.Ltmp1:
0x7f: {  	s31 =	sadd.s32 $0x1480, s0;
	[sflag:s25] =	ssyncadd.s32 $0xFFFFC180;
	(pc) =	sbr.rel @p1 .LBB2_4-.Ltmp1, $4  }
0x80: {  	[spmem:s2] =	stream.indirect.scatter.add.f32 [tilespmem:s23], [sflag:$0x4], $0x80, s31, s20, $0xb8;
	[tilespmem:$0x1E080] =	vst v63  }
0x81: {  	_ =	swait.ge [sflag:s18], $0x3E80  }
0x82: {  	[sflag:s18] =	ssyncset.done $0x0  }
0x83: {  	s31 =	sadd.s32 $0x180, s0;
	[sflag:s18] =	ssyncadd.s32 $0xFFFFC180  }
0x84: {  	[tilespmem:s23], [sflag:$0x2] =	stream.indirect.gather [hbm4b:s1+s20], $0x80, s31, s20, $0xb8;
	[tilespmem:$0x1E080] =	vst v63  }
0x85: {  	_ =	swait.ge [sflag:s24], $0x3E80  }
0x86: {  	[sflag:s24] =	ssyncset.done $0x0  }
0x87: {  	[sflag:s24] =	ssyncadd.s32 $0xFFFFC180  }
0x88: {  	[spmem:s2] =	stream.indirect.scatter.add.f32 [tilespmem:s21], [sflag:$0x4], $0x80, s26, s20, $0xb8;
	[tilespmem:$0x1E080] =	vst v63  }
0x89: {  	_ =	swait.ge [sflag:s18], $0x3E80  }
0x8a: {  	[sflag:s18] =	ssyncset.done $0x0  }
0x8b: {  	[sflag:s18] =	ssyncadd.s32 $0xFFFFC180  }
0x8c: {  	_ =	swait.ge [sflag:s25], $0x3E80  }
0x8d: {  	[sflag:s25] =	ssyncset.done $0x0  }
0x8e: {  	[sflag:s25] =	ssyncadd.s32 $0xFFFFC180  }
0x8f: {  	[spmem:s2] =	stream.indirect.scatter.add.f32 [tilespmem:s23], [sflag:$0x4], $0x80, s28, s20, $0xb8;
	[tilespmem:$0x1E080] =	vst v63  }
0x90: {  	_ =	swait.ge [sflag:s18], $0x3E80  }
0x91: {  	[sflag:s18] =	ssyncset.done $0x0  }
0x92: {  	[sflag:s18] =	ssyncadd.s32 $0xFFFFC180  }
0x93: {  	s0 =	simm.s32 @p0 $0x1FC4;
	[bflag:$0x0] =	sbarrier.arrive $0xFFFF  }
0x94: {  	[hbm:s8], [sflag:s0] =	dma.local @p0 [spmem:s15], $0x2080  }
0x95: {  	s0 =	simm.s32 @p0 $0x4  }
0x96: {  	_ =	swait.ge @p0 [sflag:s0], $0x2080  }
0x97: {  	s29 =	sadd.s32 $0x1, s29;
	[sflag:s0] =	ssyncset.done @p0 $0x0  }
0x98: {  	p1 =	sne.s32 s29, s9;
	[sflag:s0] =	ssyncadd.s32 @p0 $0xFFFFDF80;
	s0 =	sor.u32 @!p0 $0x1C04, s13  }
0x99: {  	[hbm:s7], [sflag:s0] =	dma.local @!p0 [spmem:s17], $0x2780  }
.Ltmp2:
0x9a: {  	_ = 	snop;
	(pc) =	sbr.rel @p1 .LBB2_1-.Ltmp2, $4  }
0x9b: {  	s0 =	simm.s32 @!p0 $0x4  }
0x9c: {  	_ =	swait.ge @!p0 [sflag:s0], $0x2780  }
0x9d: {  	[sflag:s0] =	ssyncset.done @!p0 $0x0  }
0x9e: {  	[sflag:s0] =	ssyncadd.s32 @!p0 $0xFFFFD880  }
0x9f: {  	_ =	sfence.sel $0x180000  }
0xa0: {  	[bflag:$0x0] =	sbarrier.arrive $0xFFFF  }
0xa1: {  	_ =	strace $0x90000047  }
0xa2: {  	[bflag:$0x2] =	sbarrier.arrive $0xFFFF  }
0xa3: {  	p0 =	sne.s32 s3, $0x0;
	s0 =	rddreg [dreg:$0x3]  }
0xa4: {  	s0 =	sadd.s32 @!p0 $0x100000, s0  }
0xa5: {  	[sflag:s0] =	ssyncadd.tile.s32 @!p0 $0x1;
	_ =	shalt  }
.Lfunc_end2:
_tile_overlayer_lowered:
.L_overlay_start_2:
0xa6: {  	(tag) =	ssettag $0x2  }
0xa7: {  	s0 =	rddreg [dreg:$0x0];
	s2 =	stileid.u32  }
0xa8: {  	s1 =	rddreg [dreg:$0x1];
	p0 =	sne.s32 s2, $0x0  }
0xa9: {  	s3 =	rddreg [dreg:$0x2];
	[bflag:$0x3] =	sbarrier.arrive $0xFFFF;
	s2 =	simm.s32 @!p0 $0x1C04  }
0xaa: {  	[timem:s3], [sflag:s2] =	dma.local @!p0 [hbm:s0], s1  }
0xab: {  	s0 =	simm.s32 @!p0 $0x4  }
0xac: {  	_ =	swait.ge @!p0 [sflag:s0], s1  }
0xad: {  	s1 =	ssub.s32 @!p0 $0x0, s1;
	[sflag:s0] =	ssyncset.done @!p0 $0x0  }
0xae: {  	[sflag:s0] =	ssyncadd.s32 @!p0 s1  }
0xaf: {  	[bflag:$0x3] =	sbarrier.arrive $0xFFFF  }
0xb0: {  	_ =	shalt  }

</sc_bundles>
